<compile_context>
chip_gen: v7x
topology: tpu7x:2x2x1
jax: 0.10.2.dev20260603
libtpu: 0.0.44.dev20260713+nightly
codegen_flags: <defaults>
</compile_context>

<pallas_src>
import functools

import jax
import jax.numpy as jnp
from jax.experimental import pallas as pl
from jax.experimental.pallas import tpu as pltpu
from jax.experimental.pallas import tpu_sc as plsc

_EPS = 1e-6


def _sc_sample(tl, sl):
    F = sl.shape[0]

    @functools.partial(
        pl.kernel,
        out_type=jax.ShapeDtypeStruct((4, F), jnp.float32),
        mesh=plsc.VectorSubcoreMesh(core_axis_name="c", subcore_axis_name="s"),
        scratch_types=[pltpu.VMEM((F,), jnp.float32) for _ in range(9)],
    )
    def body(tl_hbm, sl_hbm, out_hbm, t0, t1, t2, t3, sv, r0, r1, r2, r3):
        cid = jax.lax.axis_index("c")
        sid = jax.lax.axis_index("s")

        @pl.when((cid == 0) & (sid == 0))
        def _():
            pltpu.sync_copy(tl_hbm.at[0], t0)
            pltpu.sync_copy(tl_hbm.at[1], t1)
            pltpu.sync_copy(tl_hbm.at[2], t2)
            pltpu.sync_copy(tl_hbm.at[3], t3)
            pltpu.sync_copy(sl_hbm, sv)
            one = jnp.ones((16,), jnp.float32)
            zero = jnp.zeros((16,), jnp.float32)
            for g in range(F // 16):
                d = pl.ds(g * 16, 16)
                a0 = t0[d]
                a1 = t1[d]
                a2 = t2[d]
                a3 = t3[d]
                m = jnp.maximum(jnp.maximum(a0, a1), jnp.maximum(a2, a3))
                gf = jnp.where(sv[d] > 0.0, one, zero)
                w0 = jnp.where(a0 >= m, one, zero)
                w1 = jnp.where(a1 >= m, one, zero)
                w2 = jnp.where(a2 >= m, one, zero)
                n0 = one - w0
                n01 = n0 * (one - w1)
                n012 = n01 * (one - w2)
                r0[d] = gf * w0
                r1[d] = gf * n0 * w1
                r2[d] = gf * n01 * w2
                r3[d] = gf * n012
            pltpu.sync_copy(r0, out_hbm.at[0])
            pltpu.sync_copy(r1, out_hbm.at[1])
            pltpu.sync_copy(r2, out_hbm.at[2])
            pltpu.sync_copy(r3, out_hbm.at[3])

    return body(tl, sl)


def _signed_log1p(x):
    xi = jax.lax.bitcast_convert_type(x, jnp.uint32)
    sbit = xi & jnp.uint32(0x80000000)
    ax = jax.lax.bitcast_convert_type(xi & jnp.uint32(0x7FFFFFFF), jnp.float32)
    lg = jnp.log(1.0 + ax)
    li = jax.lax.bitcast_convert_type(lg, jnp.uint32)
    return jax.lax.bitcast_convert_type(li | sbit, jnp.float32)


def _body(x_ref, sel_ref, o_ref, acc_ref, xs_ref, *, nb, total_rows):
    p = pl.program_id(0)
    i = pl.program_id(1)
    rb = x_ref.shape[0]

    @pl.when(p == 0)
    def _stats_phase():
        x = x_ref[...]
        xs_ref[pl.ds(i * rb, rb), :] = x
        s = jnp.sum(x, axis=0, keepdims=True)
        ss = jnp.sum(x * x, axis=0, keepdims=True)
        mn = jnp.min(x, axis=0, keepdims=True)
        mx = jnp.max(x, axis=0, keepdims=True)

        @pl.when(i == 0)
        def _init():
            acc_ref[0:1, :] = s
            acc_ref[1:2, :] = ss
            acc_ref[2:3, :] = mn
            acc_ref[3:4, :] = mx

        @pl.when(i > 0)
        def _accum():
            acc_ref[0:1, :] += s
            acc_ref[1:2, :] += ss
            acc_ref[2:3, :] = jnp.minimum(acc_ref[2:3, :], mn)
            acc_ref[3:4, :] = jnp.maximum(acc_ref[3:4, :], mx)

        @pl.when(i == nb - 1)
        def _finalize():
            tot = acc_ref[0:1, :]
            totsq = acc_ref[1:2, :]
            cmn = acc_ref[2:3, :]
            cmx = acc_ref[3:4, :]
            mean = tot / total_rows
            var = jnp.maximum(totsq / total_rows - mean * mean, 0.0)
            std = jnp.sqrt(var)
            ma = jnp.maximum(jnp.abs(cmn), jnp.abs(cmx))
            a0 = 1.0 / (std + _EPS)
            b0 = -mean * a0
            a1 = 1.0 / (cmx - cmn + _EPS)
            b1 = -cmn * a1
            a2 = 1.0 / (ma + _EPS)
            s0 = sel_ref[0:1, :]
            s1 = sel_ref[1:2, :]
            s2 = sel_ref[2:3, :]
            ul = sel_ref[3:4, :]
            acc_ref[4:5, :] = (
                1.0 + s0 * (a0 - 1.0) + s1 * (a1 - 1.0) + s2 * (a2 - 1.0) - ul
            )
            acc_ref[5:6, :] = s0 * b0 + s1 * b1
            acc_ref[6:7, :] = ul

    @pl.when(p == 1)
    def _apply_phase():
        a = acc_ref[4:5, :]
        b = acc_ref[5:6, :]
        use_log = acc_ref[6:7, :] > 0.5
        x = xs_ref[pl.ds(i * rb, rb), :]
        lin = x * a + b
        o_ref[...] = jnp.where(use_log, _signed_log1p(x), lin)


def kernel(X, step_prob_logits, tf_prob_logits, is_train, max_only):
    B, F = X.shape
    sl = step_prob_logits.reshape(F)
    tl = tf_prob_logits.T
    sel = _sc_sample(tl, sl)
    nb = 2
    rb = B // nb

    return pl.pallas_call(
        functools.partial(_body, nb=nb, total_rows=B),
        grid=(2, nb),
        in_specs=[
            pl.BlockSpec((rb, F), lambda p, i: (i * (1 - p) + (nb - 1) * p, 0)),
            pl.BlockSpec((4, F), lambda p, i: (0, 0)),
        ],
        out_specs=pl.BlockSpec((rb, F), lambda p, i: (p * i, 0)),
        out_shape=jax.ShapeDtypeStruct((B, F), X.dtype),
        scratch_shapes=[
            pltpu.VMEM((8, F), jnp.float32),
            pltpu.VMEM((B, F), jnp.float32),
        ],
    )(X, sel)

# --- scband reference (transcript-rebuilt; emitter-appended) ---
"""Pipeline reference for scband-step-1434519077439 (READ-ONLY COPY).

The authoritative reference and input builder live on the scoring server;
editing this copy changes nothing except your own understanding.
"""

import jax, jax.numpy as jnp
import numpy as np

B, F, K = 16384, 128, 4
EPS = 1e-6


def _apply_transforms(Xd):
    # Faithful stand-ins for the tf_options fit_transform calls (sklearn-style
    # column-wise scalers fit on the batch): standard, minmax, maxabs, power.
    mean = Xd.mean(axis=0, keepdims=True)
    std = Xd.std(axis=0, keepdims=True)
    t0 = (Xd - mean) / (std + EPS)
    mn = Xd.min(axis=0, keepdims=True)
    mx = Xd.max(axis=0, keepdims=True)
    t1 = (Xd - mn) / (mx - mn + EPS)
    ma = jnp.abs(Xd).max(axis=0, keepdims=True)
    t2 = Xd / (ma + EPS)
    t3 = jnp.sign(Xd) * jnp.log1p(jnp.abs(Xd))
    # X_trans: [B, F, K], matching torch.cat of unsqueezed transforms on dim 2
    return jnp.stack([t0, t1, t2, t3], axis=2)


def setup_inputs(seed: int = 0) -> dict:
    key = jax.random.key(seed)
    k1, k2, k3 = jax.random.split(key, 3)
    X = jax.random.normal(k1, (B, F), dtype=jnp.float32)
    # learned augmentation parameters created by init_parameters(in_features, type)
    step_prob_logits = 0.5 + 0.1 * jax.random.normal(k2, (F,), dtype=jnp.float32)
    tf_prob_logits = 0.1 * jax.random.normal(k3, (F, K), dtype=jnp.float32)
    return {
        "X": X,
        "step_prob_logits": step_prob_logits,
        "tf_prob_logits": tf_prob_logits,
        "is_train": 1,
        "max_only": 1,
    }


def reference(X, step_prob_logits, tf_prob_logits, is_train, max_only):
    # forward: transforms operate on X.detach().numpy() in torch -> stop_gradient
    Xd = jax.lax.stop_gradient(X)
    X_trans = _apply_transforms(Xd)  # [B, F, K]
    # select_X_sample with max_only=True -> sample_with_max_probs
    # bernoulli_max: (logits > 0).int()
    step_prob_sample = (step_prob_logits > 0.0).astype(X.dtype)  # [F]
    # categorical_max: one-hot of argmax over options
    max_idx = jnp.argmax(tf_prob_logits, axis=1)  # [F]
    tf_prob_sample = jax.nn.one_hot(max_idx, K, dtype=X.dtype)  # [F, K]
    X_trans_sample = (X_trans * tf_prob_sample[None, :, :]).sum(axis=2)  # [B, F]
    X_output = X_trans_sample * step_prob_sample[None, :] + X * (1.0 - step_prob_sample[None, :])
    return X_output

if __name__ == "__main__":
    import jax
    _d = setup_inputs()
    print(jax.jit(kernel)(*tuple(_d.values())))

</pallas_src>

<mosaic_0001>
#map = affine_map<(d0, d1) -> (0, 0)>
#map1 = affine_map<(d0, d1) -> (0)>
module attributes {stable_mosaic.version = 14 : i64} {
  func.func @body(%arg0: i32, %arg1: i32, %arg2: memref<4x128xf32, #tpu.memory_space<hbm>>, %arg3: memref<128xf32, #tpu.memory_space<hbm>>, %arg4: memref<4x128xf32, #tpu.memory_space<hbm>>, %arg5: memref<128xf32, #tpu.memory_space<vmem>>, %arg6: memref<128xf32, #tpu.memory_space<vmem>>, %arg7: memref<128xf32, #tpu.memory_space<vmem>>, %arg8: memref<128xf32, #tpu.memory_space<vmem>>, %arg9: memref<128xf32, #tpu.memory_space<vmem>>, %arg10: memref<128xf32, #tpu.memory_space<vmem>>, %arg11: memref<128xf32, #tpu.memory_space<vmem>>, %arg12: memref<128xf32, #tpu.memory_space<vmem>>, %arg13: memref<128xf32, #tpu.memory_space<vmem>>) attributes {dimension_semantics = [#tpu.dimension_semantics<core_parallel>, #tpu.dimension_semantics<subcore_parallel>], iteration_bounds = array<i64: 2, 16>, scalar_prefetch = 0 : i64, scratch_operands = 9 : i64, tpu.core_type = #tpu.core_type<sc_vector_subcore>, window_params = [{transform_indices = #map}, {transform_indices = #map1}, {transform_indices = #map}]} {
    %eq3A = arith.constant 0 : i32
    %eq3A_0 = arith.cmpi eq, %arg0, %eq3A : i32
    %eq3A_1 = arith.constant 0 : i32
    %eq3A_2 = arith.cmpi eq, %arg1, %eq3A_1 : i32
    %and3A = arith.andi %eq3A_0, %eq3A_2 : i1
    %convert_element_type3A = arith.extui %and3A : i1 to i32
    %cond3A = arith.constant 0 : i32
    %cond3A_3 = arith.cmpi ne, %convert_element_type3A, %cond3A : i32
    scf.if %cond3A_3 {
      %run_scoped3A = arith.constant 0 : i32
      "tpu.region"() ({
        %run_scoped3A_446 = tpu.sem_alloc : memref<!tpu.dma_semaphore, #tpu.memory_space<semaphore_mem>>
        %dma_start3A = arith.constant 0 : i32
        %dma_start3A_447 = tpu.memref_slice %arg2[%run_scoped3A, %dma_start3A] : memref<4x128xf32, #tpu.memory_space<hbm>> -> memref<1x128xf32, #tpu.memory_space<hbm>>
        %dma_start3A_448 = tpu.memref_squeeze %dma_start3A_447 : memref<1x128xf32, #tpu.memory_space<hbm>> -> memref<128xf32, #tpu.memory_space<hbm>>
        %dma_start3A_449 = arith.constant 0 : i32
        %dma_start3A_450 = tpu.memref_slice %arg2[%run_scoped3A, %dma_start3A_449] : memref<4x128xf32, #tpu.memory_space<hbm>> -> memref<1x128xf32, #tpu.memory_space<hbm>>
        %dma_start3A_451 = tpu.memref_squeeze %dma_start3A_450 : memref<1x128xf32, #tpu.memory_space<hbm>> -> memref<128xf32, #tpu.memory_space<hbm>>
        tpu.enqueue_dma source(%dma_start3A_451 : memref<128xf32, #tpu.memory_space<hbm>>) target(%arg5 : memref<128xf32, #tpu.memory_space<vmem>>) target_semaphore(%run_scoped3A_446 : memref<!tpu.dma_semaphore, #tpu.memory_space<semaphore_mem>>)
        %dma_wait3A = arith.constant 0 : i32
        %dma_wait3A_452 = tpu.memref_slice %arg2[%run_scoped3A, %dma_wait3A] : memref<4x128xf32, #tpu.memory_space<hbm>> -> memref<1x128xf32, #tpu.memory_space<hbm>>
        %dma_wait3A_453 = tpu.memref_squeeze %dma_wait3A_452 : memref<1x128xf32, #tpu.memory_space<hbm>> -> memref<128xf32, #tpu.memory_space<hbm>>
        %dma_wait3A_454 = arith.constant 0 : i32
        %dma_wait3A_455 = tpu.memref_slice %arg2[%run_scoped3A, %dma_wait3A_454] : memref<4x128xf32, #tpu.memory_space<hbm>> -> memref<1x128xf32, #tpu.memory_space<hbm>>
        %dma_wait3A_456 = tpu.memref_squeeze %dma_wait3A_455 : memref<1x128xf32, #tpu.memory_space<hbm>> -> memref<128xf32, #tpu.memory_space<hbm>>
        tpu.wait_dma2 semaphore(%run_scoped3A_446 : memref<!tpu.dma_semaphore, #tpu.memory_space<semaphore_mem>>) src(%dma_wait3A_456 : memref<128xf32, #tpu.memory_space<hbm>>) dst(%arg5 : memref<128xf32, #tpu.memory_space<vmem>>)
        tpu.yield
      }) : () -> ()
      %run_scoped3A_4 = arith.constant 1 : i32
      "tpu.region"() ({
        %run_scoped3A_446 = tpu.sem_alloc : memref<!tpu.dma_semaphore, #tpu.memory_space<semaphore_mem>>
        %dma_start3A = arith.constant 0 : i32
        %dma_start3A_447 = tpu.memref_slice %arg2[%run_scoped3A_4, %dma_start3A] : memref<4x128xf32, #tpu.memory_space<hbm>> -> memref<1x128xf32, #tpu.memory_space<hbm>>
        %dma_start3A_448 = tpu.memref_squeeze %dma_start3A_447 : memref<1x128xf32, #tpu.memory_space<hbm>> -> memref<128xf32, #tpu.memory_space<hbm>>
        %dma_start3A_449 = arith.constant 0 : i32
        %dma_start3A_450 = tpu.memref_slice %arg2[%run_scoped3A_4, %dma_start3A_449] : memref<4x128xf32, #tpu.memory_space<hbm>> -> memref<1x128xf32, #tpu.memory_space<hbm>>
        %dma_start3A_451 = tpu.memref_squeeze %dma_start3A_450 : memref<1x128xf32, #tpu.memory_space<hbm>> -> memref<128xf32, #tpu.memory_space<hbm>>
        tpu.enqueue_dma source(%dma_start3A_451 : memref<128xf32, #tpu.memory_space<hbm>>) target(%arg6 : memref<128xf32, #tpu.memory_space<vmem>>) target_semaphore(%run_scoped3A_446 : memref<!tpu.dma_semaphore, #tpu.memory_space<semaphore_mem>>)
        %dma_wait3A = arith.constant 0 : i32
        %dma_wait3A_452 = tpu.memref_slice %arg2[%run_scoped3A_4, %dma_wait3A] : memref<4x128xf32, #tpu.memory_space<hbm>> -> memref<1x128xf32, #tpu.memory_space<hbm>>
        %dma_wait3A_453 = tpu.memref_squeeze %dma_wait3A_452 : memref<1x128xf32, #tpu.memory_space<hbm>> -> memref<128xf32, #tpu.memory_space<hbm>>
        %dma_wait3A_454 = arith.constant 0 : i32
        %dma_wait3A_455 = tpu.memref_slice %arg2[%run_scoped3A_4, %dma_wait3A_454] : memref<4x128xf32, #tpu.memory_space<hbm>> -> memref<1x128xf32, #tpu.memory_space<hbm>>
        %dma_wait3A_456 = tpu.memref_squeeze %dma_wait3A_455 : memref<1x128xf32, #tpu.memory_space<hbm>> -> memref<128xf32, #tpu.memory_space<hbm>>
        tpu.wait_dma2 semaphore(%run_scoped3A_446 : memref<!tpu.dma_semaphore, #tpu.memory_space<semaphore_mem>>) src(%dma_wait3A_456 : memref<128xf32, #tpu.memory_space<hbm>>) dst(%arg6 : memref<128xf32, #tpu.memory_space<vmem>>)
        tpu.yield
      }) : () -> ()
      %run_scoped3A_5 = arith.constant 2 : i32
      "tpu.region"() ({
        %run_scoped3A_446 = tpu.sem_alloc : memref<!tpu.dma_semaphore, #tpu.memory_space<semaphore_mem>>
        %dma_start3A = arith.constant 0 : i32
        %dma_start3A_447 = tpu.memref_slice %arg2[%run_scoped3A_5, %dma_start3A] : memref<4x128xf32, #tpu.memory_space<hbm>> -> memref<1x128xf32, #tpu.memory_space<hbm>>
        %dma_start3A_448 = tpu.memref_squeeze %dma_start3A_447 : memref<1x128xf32, #tpu.memory_space<hbm>> -> memref<128xf32, #tpu.memory_space<hbm>>
        %dma_start3A_449 = arith.constant 0 : i32
        %dma_start3A_450 = tpu.memref_slice %arg2[%run_scoped3A_5, %dma_start3A_449] : memref<4x128xf32, #tpu.memory_space<hbm>> -> memref<1x128xf32, #tpu.memory_space<hbm>>
        %dma_start3A_451 = tpu.memref_squeeze %dma_start3A_450 : memref<1x128xf32, #tpu.memory_space<hbm>> -> memref<128xf32, #tpu.memory_space<hbm>>
        tpu.enqueue_dma source(%dma_start3A_451 : memref<128xf32, #tpu.memory_space<hbm>>) target(%arg7 : memref<128xf32, #tpu.memory_space<vmem>>) target_semaphore(%run_scoped3A_446 : memref<!tpu.dma_semaphore, #tpu.memory_space<semaphore_mem>>)
        %dma_wait3A = arith.constant 0 : i32
        %dma_wait3A_452 = tpu.memref_slice %arg2[%run_scoped3A_5, %dma_wait3A] : memref<4x128xf32, #tpu.memory_space<hbm>> -> memref<1x128xf32, #tpu.memory_space<hbm>>
        %dma_wait3A_453 = tpu.memref_squeeze %dma_wait3A_452 : memref<1x128xf32, #tpu.memory_space<hbm>> -> memref<128xf32, #tpu.memory_space<hbm>>
        %dma_wait3A_454 = arith.constant 0 : i32
        %dma_wait3A_455 = tpu.memref_slice %arg2[%run_scoped3A_5, %dma_wait3A_454] : memref<4x128xf32, #tpu.memory_space<hbm>> -> memref<1x128xf32, #tpu.memory_space<hbm>>
        %dma_wait3A_456 = tpu.memref_squeeze %dma_wait3A_455 : memref<1x128xf32, #tpu.memory_space<hbm>> -> memref<128xf32, #tpu.memory_space<hbm>>
        tpu.wait_dma2 semaphore(%run_scoped3A_446 : memref<!tpu.dma_semaphore, #tpu.memory_space<semaphore_mem>>) src(%dma_wait3A_456 : memref<128xf32, #tpu.memory_space<hbm>>) dst(%arg7 : memref<128xf32, #tpu.memory_space<vmem>>)
        tpu.yield
      }) : () -> ()
      %run_scoped3A_6 = arith.constant 3 : i32
      "tpu.region"() ({
        %run_scoped3A_446 = tpu.sem_alloc : memref<!tpu.dma_semaphore, #tpu.memory_space<semaphore_mem>>
        %dma_start3A = arith.constant 0 : i32
        %dma_start3A_447 = tpu.memref_slice %arg2[%run_scoped3A_6, %dma_start3A] : memref<4x128xf32, #tpu.memory_space<hbm>> -> memref<1x128xf32, #tpu.memory_space<hbm>>
        %dma_start3A_448 = tpu.memref_squeeze %dma_start3A_447 : memref<1x128xf32, #tpu.memory_space<hbm>> -> memref<128xf32, #tpu.memory_space<hbm>>
        %dma_start3A_449 = arith.constant 0 : i32
        %dma_start3A_450 = tpu.memref_slice %arg2[%run_scoped3A_6, %dma_start3A_449] : memref<4x128xf32, #tpu.memory_space<hbm>> -> memref<1x128xf32, #tpu.memory_space<hbm>>
        %dma_start3A_451 = tpu.memref_squeeze %dma_start3A_450 : memref<1x128xf32, #tpu.memory_space<hbm>> -> memref<128xf32, #tpu.memory_space<hbm>>
        tpu.enqueue_dma source(%dma_start3A_451 : memref<128xf32, #tpu.memory_space<hbm>>) target(%arg8 : memref<128xf32, #tpu.memory_space<vmem>>) target_semaphore(%run_scoped3A_446 : memref<!tpu.dma_semaphore, #tpu.memory_space<semaphore_mem>>)
        %dma_wait3A = arith.constant 0 : i32
        %dma_wait3A_452 = tpu.memref_slice %arg2[%run_scoped3A_6, %dma_wait3A] : memref<4x128xf32, #tpu.memory_space<hbm>> -> memref<1x128xf32, #tpu.memory_space<hbm>>
        %dma_wait3A_453 = tpu.memref_squeeze %dma_wait3A_452 : memref<1x128xf32, #tpu.memory_space<hbm>> -> memref<128xf32, #tpu.memory_space<hbm>>
        %dma_wait3A_454 = arith.constant 0 : i32
        %dma_wait3A_455 = tpu.memref_slice %arg2[%run_scoped3A_6, %dma_wait3A_454] : memref<4x128xf32, #tpu.memory_space<hbm>> -> memref<1x128xf32, #tpu.memory_space<hbm>>
        %dma_wait3A_456 = tpu.memref_squeeze %dma_wait3A_455 : memref<1x128xf32, #tpu.memory_space<hbm>> -> memref<128xf32, #tpu.memory_space<hbm>>
        tpu.wait_dma2 semaphore(%run_scoped3A_446 : memref<!tpu.dma_semaphore, #tpu.memory_space<semaphore_mem>>) src(%dma_wait3A_456 : memref<128xf32, #tpu.memory_space<hbm>>) dst(%arg8 : memref<128xf32, #tpu.memory_space<vmem>>)
        tpu.yield
      }) : () -> ()
      "tpu.region"() ({
        %run_scoped3A_446 = tpu.sem_alloc : memref<!tpu.dma_semaphore, #tpu.memory_space<semaphore_mem>>
        tpu.enqueue_dma source(%arg3 : memref<128xf32, #tpu.memory_space<hbm>>) target(%arg9 : memref<128xf32, #tpu.memory_space<vmem>>) target_semaphore(%run_scoped3A_446 : memref<!tpu.dma_semaphore, #tpu.memory_space<semaphore_mem>>)
        tpu.wait_dma2 semaphore(%run_scoped3A_446 : memref<!tpu.dma_semaphore, #tpu.memory_space<semaphore_mem>>) src(%arg3 : memref<128xf32, #tpu.memory_space<hbm>>) dst(%arg9 : memref<128xf32, #tpu.memory_space<vmem>>)
        tpu.yield
      }) : () -> ()
      %broadcast_in_dim3A = arith.constant 1.000000e+00 : f32
      %broadcast_in_dim3A_7 = vector.broadcast %broadcast_in_dim3A : f32 to vector<16xf32>
      %broadcast_in_dim3A_8 = arith.constant 0.000000e+00 : f32
      %broadcast_in_dim3A_9 = vector.broadcast %broadcast_in_dim3A_8 : f32 to vector<16xf32>
      %get3A = arith.constant 0 : index
      %get3A_10 = tpu.vector_load %arg5[%get3A] {strides = array<i32>} : memref<128xf32, #tpu.memory_space<vmem>>, vector<16xf32>,
      %get3A_11 = vector.shape_cast %get3A_10 : vector<16xf32> to vector<16xf32>
      %get3A_12 = arith.constant 0 : index
      %get3A_13 = tpu.vector_load %arg6[%get3A_12] {strides = array<i32>} : memref<128xf32, #tpu.memory_space<vmem>>, vector<16xf32>,
      %get3A_14 = vector.shape_cast %get3A_13 : vector<16xf32> to vector<16xf32>
      %get3A_15 = arith.constant 0 : index
      %get3A_16 = tpu.vector_load %arg7[%get3A_15] {strides = array<i32>} : memref<128xf32, #tpu.memory_space<vmem>>, vector<16xf32>,
      %get3A_17 = vector.shape_cast %get3A_16 : vector<16xf32> to vector<16xf32>
      %get3A_18 = arith.constant 0 : index
      %get3A_19 = tpu.vector_load %arg8[%get3A_18] {strides = array<i32>} : memref<128xf32, #tpu.memory_space<vmem>>, vector<16xf32>,
      %get3A_20 = vector.shape_cast %get3A_19 : vector<16xf32> to vector<16xf32>
      %max3A = arith.maximumf %get3A_11, %get3A_14 : vector<16xf32>
      %max3A_21 = arith.maximumf %get3A_17, %get3A_20 : vector<16xf32>
      %max3A_22 = arith.maximumf %max3A, %max3A_21 : vector<16xf32>
      %get3A_23 = arith.constant 0 : index
      %get3A_24 = tpu.vector_load %arg9[%get3A_23] {strides = array<i32>} : memref<128xf32, #tpu.memory_space<vmem>>, vector<16xf32>,
      %get3A_25 = vector.shape_cast %get3A_24 : vector<16xf32> to vector<16xf32>
      %gt3A = arith.constant 0.000000e+00 : f32
      %gt3A_26 = vector.broadcast %gt3A : f32 to vector<16xf32>
      %gt3A_27 = arith.cmpf ogt, %get3A_25, %gt3A_26 : vector<16xf32>
      %select_n3A = arith.select %gt3A_27, %broadcast_in_dim3A_7, %broadcast_in_dim3A_9 : vector<16xi1>, vector<16xf32>
      %ge3A = arith.cmpf oge, %get3A_11, %max3A_22 : vector<16xf32>
      %select_n3A_28 = arith.select %ge3A, %broadcast_in_dim3A_7, %broadcast_in_dim3A_9 : vector<16xi1>, vector<16xf32>
      %ge3A_29 = arith.cmpf oge, %get3A_14, %max3A_22 : vector<16xf32>
      %select_n3A_30 = arith.select %ge3A_29, %broadcast_in_dim3A_7, %broadcast_in_dim3A_9 : vector<16xi1>, vector<16xf32>
      %ge3A_31 = arith.cmpf oge, %get3A_17, %max3A_22 : vector<16xf32>
      %select_n3A_32 = arith.select %ge3A_31, %broadcast_in_dim3A_7, %broadcast_in_dim3A_9 : vector<16xi1>, vector<16xf32>
      %sub3A = arith.subf %broadcast_in_dim3A_7, %select_n3A_28 : vector<16xf32>
      %sub3A_33 = arith.subf %broadcast_in_dim3A_7, %select_n3A_30 : vector<16xf32>
      %mul3A = arith.mulf %sub3A, %sub3A_33 : vector<16xf32>
      %sub3A_34 = arith.subf %broadcast_in_dim3A_7, %select_n3A_32 : vector<16xf32>
      %mul3A_35 = arith.mulf %mul3A, %sub3A_34 : vector<16xf32>
      %mul3A_36 = arith.mulf %select_n3A, %select_n3A_28 : vector<16xf32>
      %swap3A = arith.constant 0 : index
      %swap3A_37 = tpu.vector_load %arg10[%swap3A] {strides = array<i32>} : memref<128xf32, #tpu.memory_space<vmem>>, vector<16xf32>,
      %swap3A_38 = vector.shape_cast %swap3A_37 : vector<16xf32> to vector<16xf32>
      %swap3A_39 = vector.shape_cast %mul3A_36 : vector<16xf32> to vector<16xf32>
      tpu.vector_store %arg10[%swap3A], %swap3A_39 {strides = array<i32>} : memref<128xf32, #tpu.memory_space<vmem>>, vector<16xf32>,
      %mul3A_40 = arith.mulf %select_n3A, %sub3A : vector<16xf32>
      %mul3A_41 = arith.mulf %mul3A_40, %select_n3A_30 : vector<16xf32>
      %swap3A_42 = arith.constant 0 : index
      %swap3A_43 = tpu.vector_load %arg11[%swap3A_42] {strides = array<i32>} : memref<128xf32, #tpu.memory_space<vmem>>, vector<16xf32>,
      %swap3A_44 = vector.shape_cast %swap3A_43 : vector<16xf32> to vector<16xf32>
      %swap3A_45 = vector.shape_cast %mul3A_41 : vector<16xf32> to vector<16xf32>
      tpu.vector_store %arg11[%swap3A_42], %swap3A_45 {strides = array<i32>} : memref<128xf32, #tpu.memory_space<vmem>>, vector<16xf32>,
      %mul3A_46 = arith.mulf %select_n3A, %mul3A : vector<16xf32>
      %mul3A_47 = arith.mulf %mul3A_46, %select_n3A_32 : vector<16xf32>
      %swap3A_48 = arith.constant 0 : index
      %swap3A_49 = tpu.vector_load %arg12[%swap3A_48] {strides = array<i32>} : memref<128xf32, #tpu.memory_space<vmem>>, vector<16xf32>,
      %swap3A_50 = vector.shape_cast %swap3A_49 : vector<16xf32> to vector<16xf32>
      %swap3A_51 = vector.shape_cast %mul3A_47 : vector<16xf32> to vector<16xf32>
      tpu.vector_store %arg12[%swap3A_48], %swap3A_51 {strides = array<i32>} : memref<128xf32, #tpu.memory_space<vmem>>, vector<16xf32>,
      %mul3A_52 = arith.mulf %select_n3A, %mul3A_35 : vector<16xf32>
      %swap3A_53 = arith.constant 0 : index
      %swap3A_54 = tpu.vector_load %arg13[%swap3A_53] {strides = array<i32>} : memref<128xf32, #tpu.memory_space<vmem>>, vector<16xf32>,
      %swap3A_55 = vector.shape_cast %swap3A_54 : vector<16xf32> to vector<16xf32>
      %swap3A_56 = vector.shape_cast %mul3A_52 : vector<16xf32> to vector<16xf32>
      tpu.vector_store %arg13[%swap3A_53], %swap3A_56 {strides = array<i32>} : memref<128xf32, #tpu.memory_space<vmem>>, vector<16xf32>,
      %get3A_57 = arith.constant 16 : index
      %get3A_58 = tpu.vector_load %arg5[%get3A_57] {strides = array<i32>} : memref<128xf32, #tpu.memory_space<vmem>>, vector<16xf32>,
      %get3A_59 = vector.shape_cast %get3A_58 : vector<16xf32> to vector<16xf32>
      %get3A_60 = arith.constant 16 : index
      %get3A_61 = tpu.vector_load %arg6[%get3A_60] {strides = array<i32>} : memref<128xf32, #tpu.memory_space<vmem>>, vector<16xf32>,
      %get3A_62 = vector.shape_cast %get3A_61 : vector<16xf32> to vector<16xf32>
      %get3A_63 = arith.constant 16 : index
      %get3A_64 = tpu.vector_load %arg7[%get3A_63] {strides = array<i32>} : memref<128xf32, #tpu.memory_space<vmem>>, vector<16xf32>,
      %get3A_65 = vector.shape_cast %get3A_64 : vector<16xf32> to vector<16xf32>
      %get3A_66 = arith.constant 16 : index
      %get3A_67 = tpu.vector_load %arg8[%get3A_66] {strides = array<i32>} : memref<128xf32, #tpu.memory_space<vmem>>, vector<16xf32>,
      %get3A_68 = vector.shape_cast %get3A_67 : vector<16xf32> to vector<16xf32>
      %max3A_69 = arith.maximumf %get3A_59, %get3A_62 : vector<16xf32>
      %max3A_70 = arith.maximumf %get3A_65, %get3A_68 : vector<16xf32>
      %max3A_71 = arith.maximumf %max3A_69, %max3A_70 : vector<16xf32>
      %get3A_72 = arith.constant 16 : index
      %get3A_73 = tpu.vector_load %arg9[%get3A_72] {strides = array<i32>} : memref<128xf32, #tpu.memory_space<vmem>>, vector<16xf32>,
      %get3A_74 = vector.shape_cast %get3A_73 : vector<16xf32> to vector<16xf32>
      %gt3A_75 = arith.constant 0.000000e+00 : f32
      %gt3A_76 = vector.broadcast %gt3A_75 : f32 to vector<16xf32>
      %gt3A_77 = arith.cmpf ogt, %get3A_74, %gt3A_76 : vector<16xf32>
      %select_n3A_78 = arith.select %gt3A_77, %broadcast_in_dim3A_7, %broadcast_in_dim3A_9 : vector<16xi1>, vector<16xf32>
      %ge3A_79 = arith.cmpf oge, %get3A_59, %max3A_71 : vector<16xf32>
      %select_n3A_80 = arith.select %ge3A_79, %broadcast_in_dim3A_7, %broadcast_in_dim3A_9 : vector<16xi1>, vector<16xf32>
      %ge3A_81 = arith.cmpf oge, %get3A_62, %max3A_71 : vector<16xf32>
      %select_n3A_82 = arith.select %ge3A_81, %broadcast_in_dim3A_7, %broadcast_in_dim3A_9 : vector<16xi1>, vector<16xf32>
      %ge3A_83 = arith.cmpf oge, %get3A_65, %max3A_71 : vector<16xf32>
      %select_n3A_84 = arith.select %ge3A_83, %broadcast_in_dim3A_7, %broadcast_in_dim3A_9 : vector<16xi1>, vector<16xf32>
      %sub3A_85 = arith.subf %broadcast_in_dim3A_7, %select_n3A_80 : vector<16xf32>
      %sub3A_86 = arith.subf %broadcast_in_dim3A_7, %select_n3A_82 : vector<16xf32>
      %mul3A_87 = arith.mulf %sub3A_85, %sub3A_86 : vector<16xf32>
      %sub3A_88 = arith.subf %broadcast_in_dim3A_7, %select_n3A_84 : vector<16xf32>
      %mul3A_89 = arith.mulf %mul3A_87, %sub3A_88 : vector<16xf32>
      %mul3A_90 = arith.mulf %select_n3A_78, %select_n3A_80 : vector<16xf32>
      %swap3A_91 = arith.constant 16 : index
      %swap3A_92 = tpu.vector_load %arg10[%swap3A_91] {strides = array<i32>} : memref<128xf32, #tpu.memory_space<vmem>>, vector<16xf32>,
      %swap3A_93 = vector.shape_cast %swap3A_92 : vector<16xf32> to vector<16xf32>
      %swap3A_94 = vector.shape_cast %mul3A_90 : vector<16xf32> to vector<16xf32>
      tpu.vector_store %arg10[%swap3A_91], %swap3A_94 {strides = array<i32>} : memref<128xf32, #tpu.memory_space<vmem>>, vector<16xf32>,
      %mul3A_95 = arith.mulf %select_n3A_78, %sub3A_85 : vector<16xf32>
      %mul3A_96 = arith.mulf %mul3A_95, %select_n3A_82 : vector<16xf32>
      %swap3A_97 = arith.constant 16 : index
      %swap3A_98 = tpu.vector_load %arg11[%swap3A_97] {strides = array<i32>} : memref<128xf32, #tpu.memory_space<vmem>>, vector<16xf32>,
      %swap3A_99 = vector.shape_cast %swap3A_98 : vector<16xf32> to vector<16xf32>
      %swap3A_100 = vector.shape_cast %mul3A_96 : vector<16xf32> to vector<16xf32>
      tpu.vector_store %arg11[%swap3A_97], %swap3A_100 {strides = array<i32>} : memref<128xf32, #tpu.memory_space<vmem>>, vector<16xf32>,
      %mul3A_101 = arith.mulf %select_n3A_78, %mul3A_87 : vector<16xf32>
      %mul3A_102 = arith.mulf %mul3A_101, %select_n3A_84 : vector<16xf32>
      %swap3A_103 = arith.constant 16 : index
      %swap3A_104 = tpu.vector_load %arg12[%swap3A_103] {strides = array<i32>} : memref<128xf32, #tpu.memory_space<vmem>>, vector<16xf32>,
      %swap3A_105 = vector.shape_cast %swap3A_104 : vector<16xf32> to vector<16xf32>
      %swap3A_106 = vector.shape_cast %mul3A_102 : vector<16xf32> to vector<16xf32>
      tpu.vector_store %arg12[%swap3A_103], %swap3A_106 {strides = array<i32>} : memref<128xf32, #tpu.memory_space<vmem>>, vector<16xf32>,
      %mul3A_107 = arith.mulf %select_n3A_78, %mul3A_89 : vector<16xf32>
      %swap3A_108 = arith.constant 16 : index
      %swap3A_109 = tpu.vector_load %arg13[%swap3A_108] {strides = array<i32>} : memref<128xf32, #tpu.memory_space<vmem>>, vector<16xf32>,
      %swap3A_110 = vector.shape_cast %swap3A_109 : vector<16xf32> to vector<16xf32>
      %swap3A_111 = vector.shape_cast %mul3A_107 : vector<16xf32> to vector<16xf32>
      tpu.vector_store %arg13[%swap3A_108], %swap3A_111 {strides = array<i32>} : memref<128xf32, #tpu.memory_space<vmem>>, vector<16xf32>,
      %get3A_112 = arith.constant 32 : index
      %get3A_113 = tpu.vector_load %arg5[%get3A_112] {strides = array<i32>} : memref<128xf32, #tpu.memory_space<vmem>>, vector<16xf32>,
      %get3A_114 = vector.shape_cast %get3A_113 : vector<16xf32> to vector<16xf32>
      %get3A_115 = arith.constant 32 : index
      %get3A_116 = tpu.vector_load %arg6[%get3A_115] {strides = array<i32>} : memref<128xf32, #tpu.memory_space<vmem>>, vector<16xf32>,
      %get3A_117 = vector.shape_cast %get3A_116 : vector<16xf32> to vector<16xf32>
      %get3A_118 = arith.constant 32 : index
      %get3A_119 = tpu.vector_load %arg7[%get3A_118] {strides = array<i32>} : memref<128xf32, #tpu.memory_space<vmem>>, vector<16xf32>,
      %get3A_120 = vector.shape_cast %get3A_119 : vector<16xf32> to vector<16xf32>
      %get3A_121 = arith.constant 32 : index
      %get3A_122 = tpu.vector_load %arg8[%get3A_121] {strides = array<i32>} : memref<128xf32, #tpu.memory_space<vmem>>, vector<16xf32>,
      %get3A_123 = vector.shape_cast %get3A_122 : vector<16xf32> to vector<16xf32>
      %max3A_124 = arith.maximumf %get3A_114, %get3A_117 : vector<16xf32>
      %max3A_125 = arith.maximumf %get3A_120, %get3A_123 : vector<16xf32>
      %max3A_126 = arith.maximumf %max3A_124, %max3A_125 : vector<16xf32>
      %get3A_127 = arith.constant 32 : index
      %get3A_128 = tpu.vector_load %arg9[%get3A_127] {strides = array<i32>} : memref<128xf32, #tpu.memory_space<vmem>>, vector<16xf32>,
      %get3A_129 = vector.shape_cast %get3A_128 : vector<16xf32> to vector<16xf32>
      %gt3A_130 = arith.constant 0.000000e+00 : f32
      %gt3A_131 = vector.broadcast %gt3A_130 : f32 to vector<16xf32>
      %gt3A_132 = arith.cmpf ogt, %get3A_129, %gt3A_131 : vector<16xf32>
      %select_n3A_133 = arith.select %gt3A_132, %broadcast_in_dim3A_7, %broadcast_in_dim3A_9 : vector<16xi1>, vector<16xf32>
      %ge3A_134 = arith.cmpf oge, %get3A_114, %max3A_126 : vector<16xf32>
      %select_n3A_135 = arith.select %ge3A_134, %broadcast_in_dim3A_7, %broadcast_in_dim3A_9 : vector<16xi1>, vector<16xf32>
      %ge3A_136 = arith.cmpf oge, %get3A_117, %max3A_126 : vector<16xf32>
      %select_n3A_137 = arith.select %ge3A_136, %broadcast_in_dim3A_7, %broadcast_in_dim3A_9 : vector<16xi1>, vector<16xf32>
      %ge3A_138 = arith.cmpf oge, %get3A_120, %max3A_126 : vector<16xf32>
      %select_n3A_139 = arith.select %ge3A_138, %broadcast_in_dim3A_7, %broadcast_in_dim3A_9 : vector<16xi1>, vector<16xf32>
      %sub3A_140 = arith.subf %broadcast_in_dim3A_7, %select_n3A_135 : vector<16xf32>
      %sub3A_141 = arith.subf %broadcast_in_dim3A_7, %select_n3A_137 : vector<16xf32>
      %mul3A_142 = arith.mulf %sub3A_140, %sub3A_141 : vector<16xf32>
      %sub3A_143 = arith.subf %broadcast_in_dim3A_7, %select_n3A_139 : vector<16xf32>
      %mul3A_144 = arith.mulf %mul3A_142, %sub3A_143 : vector<16xf32>
      %mul3A_145 = arith.mulf %select_n3A_133, %select_n3A_135 : vector<16xf32>
      %swap3A_146 = arith.constant 32 : index
      %swap3A_147 = tpu.vector_load %arg10[%swap3A_146] {strides = array<i32>} : memref<128xf32, #tpu.memory_space<vmem>>, vector<16xf32>,
      %swap3A_148 = vector.shape_cast %swap3A_147 : vector<16xf32> to vector<16xf32>
      %swap3A_149 = vector.shape_cast %mul3A_145 : vector<16xf32> to vector<16xf32>
      tpu.vector_store %arg10[%swap3A_146], %swap3A_149 {strides = array<i32>} : memref<128xf32, #tpu.memory_space<vmem>>, vector<16xf32>,
      %mul3A_150 = arith.mulf %select_n3A_133, %sub3A_140 : vector<16xf32>
      %mul3A_151 = arith.mulf %mul3A_150, %select_n3A_137 : vector<16xf32>
      %swap3A_152 = arith.constant 32 : index
      %swap3A_153 = tpu.vector_load %arg11[%swap3A_152] {strides = array<i32>} : memref<128xf32, #tpu.memory_space<vmem>>, vector<16xf32>,
      %swap3A_154 = vector.shape_cast %swap3A_153 : vector<16xf32> to vector<16xf32>
      %swap3A_155 = vector.shape_cast %mul3A_151 : vector<16xf32> to vector<16xf32>
      tpu.vector_store %arg11[%swap3A_152], %swap3A_155 {strides = array<i32>} : memref<128xf32, #tpu.memory_space<vmem>>, vector<16xf32>,
      %mul3A_156 = arith.mulf %select_n3A_133, %mul3A_142 : vector<16xf32>
      %mul3A_157 = arith.mulf %mul3A_156, %select_n3A_139 : vector<16xf32>
      %swap3A_158 = arith.constant 32 : index
      %swap3A_159 = tpu.vector_load %arg12[%swap3A_158] {strides = array<i32>} : memref<128xf32, #tpu.memory_space<vmem>>, vector<16xf32>,
      %swap3A_160 = vector.shape_cast %swap3A_159 : vector<16xf32> to vector<16xf32>
      %swap3A_161 = vector.shape_cast %mul3A_157 : vector<16xf32> to vector<16xf32>
      tpu.vector_store %arg12[%swap3A_158], %swap3A_161 {strides = array<i32>} : memref<128xf32, #tpu.memory_space<vmem>>, vector<16xf32>,
      %mul3A_162 = arith.mulf %select_n3A_133, %mul3A_144 : vector<16xf32>
      %swap3A_163 = arith.constant 32 : index
      %swap3A_164 = tpu.vector_load %arg13[%swap3A_163] {strides = array<i32>} : memref<128xf32, #tpu.memory_space<vmem>>, vector<16xf32>,
      %swap3A_165 = vector.shape_cast %swap3A_164 : vector<16xf32> to vector<16xf32>
      %swap3A_166 = vector.shape_cast %mul3A_162 : vector<16xf32> to vector<16xf32>
      tpu.vector_store %arg13[%swap3A_163], %swap3A_166 {strides = array<i32>} : memref<128xf32, #tpu.memory_space<vmem>>, vector<16xf32>,
      %get3A_167 = arith.constant 48 : index
      %get3A_168 = tpu.vector_load %arg5[%get3A_167] {strides = array<i32>} : memref<128xf32, #tpu.memory_space<vmem>>, vector<16xf32>,
      %get3A_169 = vector.shape_cast %get3A_168 : vector<16xf32> to vector<16xf32>
      %get3A_170 = arith.constant 48 : index
      %get3A_171 = tpu.vector_load %arg6[%get3A_170] {strides = array<i32>} : memref<128xf32, #tpu.memory_space<vmem>>, vector<16xf32>,
      %get3A_172 = vector.shape_cast %get3A_171 : vector<16xf32> to vector<16xf32>
      %get3A_173 = arith.constant 48 : index
      %get3A_174 = tpu.vector_load %arg7[%get3A_173] {strides = array<i32>} : memref<128xf32, #tpu.memory_space<vmem>>, vector<16xf32>,
      %get3A_175 = vector.shape_cast %get3A_174 : vector<16xf32> to vector<16xf32>
      %get3A_176 = arith.constant 48 : index
      %get3A_177 = tpu.vector_load %arg8[%get3A_176] {strides = array<i32>} : memref<128xf32, #tpu.memory_space<vmem>>, vector<16xf32>,
      %get3A_178 = vector.shape_cast %get3A_177 : vector<16xf32> to vector<16xf32>
      %max3A_179 = arith.maximumf %get3A_169, %get3A_172 : vector<16xf32>
      %max3A_180 = arith.maximumf %get3A_175, %get3A_178 : vector<16xf32>
      %max3A_181 = arith.maximumf %max3A_179, %max3A_180 : vector<16xf32>
      %get3A_182 = arith.constant 48 : index
      %get3A_183 = tpu.vector_load %arg9[%get3A_182] {strides = array<i32>} : memref<128xf32, #tpu.memory_space<vmem>>, vector<16xf32>,
      %get3A_184 = vector.shape_cast %get3A_183 : vector<16xf32> to vector<16xf32>
      %gt3A_185 = arith.constant 0.000000e+00 : f32
      %gt3A_186 = vector.broadcast %gt3A_185 : f32 to vector<16xf32>
      %gt3A_187 = arith.cmpf ogt, %get3A_184, %gt3A_186 : vector<16xf32>
      %select_n3A_188 = arith.select %gt3A_187, %broadcast_in_dim3A_7, %broadcast_in_dim3A_9 : vector<16xi1>, vector<16xf32>
      %ge3A_189 = arith.cmpf oge, %get3A_169, %max3A_181 : vector<16xf32>
      %select_n3A_190 = arith.select %ge3A_189, %broadcast_in_dim3A_7, %broadcast_in_dim3A_9 : vector<16xi1>, vector<16xf32>
      %ge3A_191 = arith.cmpf oge, %get3A_172, %max3A_181 : vector<16xf32>
      %select_n3A_192 = arith.select %ge3A_191, %broadcast_in_dim3A_7, %broadcast_in_dim3A_9 : vector<16xi1>, vector<16xf32>
      %ge3A_193 = arith.cmpf oge, %get3A_175, %max3A_181 : vector<16xf32>
      %select_n3A_194 = arith.select %ge3A_193, %broadcast_in_dim3A_7, %broadcast_in_dim3A_9 : vector<16xi1>, vector<16xf32>
      %sub3A_195 = arith.subf %broadcast_in_dim3A_7, %select_n3A_190 : vector<16xf32>
      %sub3A_196 = arith.subf %broadcast_in_dim3A_7, %select_n3A_192 : vector<16xf32>
      %mul3A_197 = arith.mulf %sub3A_195, %sub3A_196 : vector<16xf32>
      %sub3A_198 = arith.subf %broadcast_in_dim3A_7, %select_n3A_194 : vector<16xf32>
      %mul3A_199 = arith.mulf %mul3A_197, %sub3A_198 : vector<16xf32>
      %mul3A_200 = arith.mulf %select_n3A_188, %select_n3A_190 : vector<16xf32>
      %swap3A_201 = arith.constant 48 : index
      %swap3A_202 = tpu.vector_load %arg10[%swap3A_201] {strides = array<i32>} : memref<128xf32, #tpu.memory_space<vmem>>, vector<16xf32>,
      %swap3A_203 = vector.shape_cast %swap3A_202 : vector<16xf32> to vector<16xf32>
      %swap3A_204 = vector.shape_cast %mul3A_200 : vector<16xf32> to vector<16xf32>
      tpu.vector_store %arg10[%swap3A_201], %swap3A_204 {strides = array<i32>} : memref<128xf32, #tpu.memory_space<vmem>>, vector<16xf32>,
      %mul3A_205 = arith.mulf %select_n3A_188, %sub3A_195 : vector<16xf32>
      %mul3A_206 = arith.mulf %mul3A_205, %select_n3A_192 : vector<16xf32>
      %swap3A_207 = arith.constant 48 : index
      %swap3A_208 = tpu.vector_load %arg11[%swap3A_207] {strides = array<i32>} : memref<128xf32, #tpu.memory_space<vmem>>, vector<16xf32>,
      %swap3A_209 = vector.shape_cast %swap3A_208 : vector<16xf32> to vector<16xf32>
      %swap3A_210 = vector.shape_cast %mul3A_206 : vector<16xf32> to vector<16xf32>
      tpu.vector_store %arg11[%swap3A_207], %swap3A_210 {strides = array<i32>} : memref<128xf32, #tpu.memory_space<vmem>>, vector<16xf32>,
      %mul3A_211 = arith.mulf %select_n3A_188, %mul3A_197 : vector<16xf32>
      %mul3A_212 = arith.mulf %mul3A_211, %select_n3A_194 : vector<16xf32>
      %swap3A_213 = arith.constant 48 : index
      %swap3A_214 = tpu.vector_load %arg12[%swap3A_213] {strides = array<i32>} : memref<128xf32, #tpu.memory_space<vmem>>, vector<16xf32>,
      %swap3A_215 = vector.shape_cast %swap3A_214 : vector<16xf32> to vector<16xf32>
      %swap3A_216 = vector.shape_cast %mul3A_212 : vector<16xf32> to vector<16xf32>
      tpu.vector_store %arg12[%swap3A_213], %swap3A_216 {strides = array<i32>} : memref<128xf32, #tpu.memory_space<vmem>>, vector<16xf32>,
      %mul3A_217 = arith.mulf %select_n3A_188, %mul3A_199 : vector<16xf32>
      %swap3A_218 = arith.constant 48 : index
      %swap3A_219 = tpu.vector_load %arg13[%swap3A_218] {strides = array<i32>} : memref<128xf32, #tpu.memory_space<vmem>>, vector<16xf32>,
      %swap3A_220 = vector.shape_cast %swap3A_219 : vector<16xf32> to vector<16xf32>
      %swap3A_221 = vector.shape_cast %mul3A_217 : vector<16xf32> to vector<16xf32>
      tpu.vector_store %arg13[%swap3A_218], %swap3A_221 {strides = array<i32>} : memref<128xf32, #tpu.memory_space<vmem>>, vector<16xf32>,
      %get3A_222 = arith.constant 64 : index
      %get3A_223 = tpu.vector_load %arg5[%get3A_222] {strides = array<i32>} : memref<128xf32, #tpu.memory_space<vmem>>, vector<16xf32>,
      %get3A_224 = vector.shape_cast %get3A_223 : vector<16xf32> to vector<16xf32>
      %get3A_225 = arith.constant 64 : index
      %get3A_226 = tpu.vector_load %arg6[%get3A_225] {strides = array<i32>} : memref<128xf32, #tpu.memory_space<vmem>>, vector<16xf32>,
      %get3A_227 = vector.shape_cast %get3A_226 : vector<16xf32> to vector<16xf32>
      %get3A_228 = arith.constant 64 : index
      %get3A_229 = tpu.vector_load %arg7[%get3A_228] {strides = array<i32>} : memref<128xf32, #tpu.memory_space<vmem>>, vector<16xf32>,
      %get3A_230 = vector.shape_cast %get3A_229 : vector<16xf32> to vector<16xf32>
      %get3A_231 = arith.constant 64 : index
      %get3A_232 = tpu.vector_load %arg8[%get3A_231] {strides = array<i32>} : memref<128xf32, #tpu.memory_space<vmem>>, vector<16xf32>,
      %get3A_233 = vector.shape_cast %get3A_232 : vector<16xf32> to vector<16xf32>
      %max3A_234 = arith.maximumf %get3A_224, %get3A_227 : vector<16xf32>
      %max3A_235 = arith.maximumf %get3A_230, %get3A_233 : vector<16xf32>
      %max3A_236 = arith.maximumf %max3A_234, %max3A_235 : vector<16xf32>
      %get3A_237 = arith.constant 64 : index
      %get3A_238 = tpu.vector_load %arg9[%get3A_237] {strides = array<i32>} : memref<128xf32, #tpu.memory_space<vmem>>, vector<16xf32>,
      %get3A_239 = vector.shape_cast %get3A_238 : vector<16xf32> to vector<16xf32>
      %gt3A_240 = arith.constant 0.000000e+00 : f32
      %gt3A_241 = vector.broadcast %gt3A_240 : f32 to vector<16xf32>
      %gt3A_242 = arith.cmpf ogt, %get3A_239, %gt3A_241 : vector<16xf32>
      %select_n3A_243 = arith.select %gt3A_242, %broadcast_in_dim3A_7, %broadcast_in_dim3A_9 : vector<16xi1>, vector<16xf32>
      %ge3A_244 = arith.cmpf oge, %get3A_224, %max3A_236 : vector<16xf32>
      %select_n3A_245 = arith.select %ge3A_244, %broadcast_in_dim3A_7, %broadcast_in_dim3A_9 : vector<16xi1>, vector<16xf32>
      %ge3A_246 = arith.cmpf oge, %get3A_227, %max3A_236 : vector<16xf32>
      %select_n3A_247 = arith.select %ge3A_246, %broadcast_in_dim3A_7, %broadcast_in_dim3A_9 : vector<16xi1>, vector<16xf32>
      %ge3A_248 = arith.cmpf oge, %get3A_230, %max3A_236 : vector<16xf32>
      %select_n3A_249 = arith.select %ge3A_248, %broadcast_in_dim3A_7, %broadcast_in_dim3A_9 : vector<16xi1>, vector<16xf32>
      %sub3A_250 = arith.subf %broadcast_in_dim3A_7, %select_n3A_245 : vector<16xf32>
      %sub3A_251 = arith.subf %broadcast_in_dim3A_7, %select_n3A_247 : vector<16xf32>
      %mul3A_252 = arith.mulf %sub3A_250, %sub3A_251 : vector<16xf32>
      %sub3A_253 = arith.subf %broadcast_in_dim3A_7, %select_n3A_249 : vector<16xf32>
      %mul3A_254 = arith.mulf %mul3A_252, %sub3A_253 : vector<16xf32>
      %mul3A_255 = arith.mulf %select_n3A_243, %select_n3A_245 : vector<16xf32>
      %swap3A_256 = arith.constant 64 : index
      %swap3A_257 = tpu.vector_load %arg10[%swap3A_256] {strides = array<i32>} : memref<128xf32, #tpu.memory_space<vmem>>, vector<16xf32>,
      %swap3A_258 = vector.shape_cast %swap3A_257 : vector<16xf32> to vector<16xf32>
      %swap3A_259 = vector.shape_cast %mul3A_255 : vector<16xf32> to vector<16xf32>
      tpu.vector_store %arg10[%swap3A_256], %swap3A_259 {strides = array<i32>} : memref<128xf32, #tpu.memory_space<vmem>>, vector<16xf32>,
      %mul3A_260 = arith.mulf %select_n3A_243, %sub3A_250 : vector<16xf32>
      %mul3A_261 = arith.mulf %mul3A_260, %select_n3A_247 : vector<16xf32>
      %swap3A_262 = arith.constant 64 : index
      %swap3A_263 = tpu.vector_load %arg11[%swap3A_262] {strides = array<i32>} : memref<128xf32, #tpu.memory_space<vmem>>, vector<16xf32>,
      %swap3A_264 = vector.shape_cast %swap3A_263 : vector<16xf32> to vector<16xf32>
      %swap3A_265 = vector.shape_cast %mul3A_261 : vector<16xf32> to vector<16xf32>
      tpu.vector_store %arg11[%swap3A_262], %swap3A_265 {strides = array<i32>} : memref<128xf32, #tpu.memory_space<vmem>>, vector<16xf32>,
      %mul3A_266 = arith.mulf %select_n3A_243, %mul3A_252 : vector<16xf32>
      %mul3A_267 = arith.mulf %mul3A_266, %select_n3A_249 : vector<16xf32>
      %swap3A_268 = arith.constant 64 : index
      %swap3A_269 = tpu.vector_load %arg12[%swap3A_268] {strides = array<i32>} : memref<128xf32, #tpu.memory_space<vmem>>, vector<16xf32>,
      %swap3A_270 = vector.shape_cast %swap3A_269 : vector<16xf32> to vector<16xf32>
      %swap3A_271 = vector.shape_cast %mul3A_267 : vector<16xf32> to vector<16xf32>
      tpu.vector_store %arg12[%swap3A_268], %swap3A_271 {strides = array<i32>} : memref<128xf32, #tpu.memory_space<vmem>>, vector<16xf32>,
      %mul3A_272 = arith.mulf %select_n3A_243, %mul3A_254 : vector<16xf32>
      %swap3A_273 = arith.constant 64 : index
      %swap3A_274 = tpu.vector_load %arg13[%swap3A_273] {strides = array<i32>} : memref<128xf32, #tpu.memory_space<vmem>>, vector<16xf32>,
      %swap3A_275 = vector.shape_cast %swap3A_274 : vector<16xf32> to vector<16xf32>
      %swap3A_276 = vector.shape_cast %mul3A_272 : vector<16xf32> to vector<16xf32>
      tpu.vector_store %arg13[%swap3A_273], %swap3A_276 {strides = array<i32>} : memref<128xf32, #tpu.memory_space<vmem>>, vector<16xf32>,
      %get3A_277 = arith.constant 80 : index
      %get3A_278 = tpu.vector_load %arg5[%get3A_277] {strides = array<i32>} : memref<128xf32, #tpu.memory_space<vmem>>, vector<16xf32>,
      %get3A_279 = vector.shape_cast %get3A_278 : vector<16xf32> to vector<16xf32>
      %get3A_280 = arith.constant 80 : index
      %get3A_281 = tpu.vector_load %arg6[%get3A_280] {strides = array<i32>} : memref<128xf32, #tpu.memory_space<vmem>>, vector<16xf32>,
      %get3A_282 = vector.shape_cast %get3A_281 : vector<16xf32> to vector<16xf32>
      %get3A_283 = arith.constant 80 : index
      %get3A_284 = tpu.vector_load %arg7[%get3A_283] {strides = array<i32>} : memref<128xf32, #tpu.memory_space<vmem>>, vector<16xf32>,
      %get3A_285 = vector.shape_cast %get3A_284 : vector<16xf32> to vector<16xf32>
      %get3A_286 = arith.constant 80 : index
      %get3A_287 = tpu.vector_load %arg8[%get3A_286] {strides = array<i32>} : memref<128xf32, #tpu.memory_space<vmem>>, vector<16xf32>,
      %get3A_288 = vector.shape_cast %get3A_287 : vector<16xf32> to vector<16xf32>
      %max3A_289 = arith.maximumf %get3A_279, %get3A_282 : vector<16xf32>
      %max3A_290 = arith.maximumf %get3A_285, %get3A_288 : vector<16xf32>
      %max3A_291 = arith.maximumf %max3A_289, %max3A_290 : vector<16xf32>
      %get3A_292 = arith.constant 80 : index
      %get3A_293 = tpu.vector_load %arg9[%get3A_292] {strides = array<i32>} : memref<128xf32, #tpu.memory_space<vmem>>, vector<16xf32>,
      %get3A_294 = vector.shape_cast %get3A_293 : vector<16xf32> to vector<16xf32>
      %gt3A_295 = arith.constant 0.000000e+00 : f32
      %gt3A_296 = vector.broadcast %gt3A_295 : f32 to vector<16xf32>
      %gt3A_297 = arith.cmpf ogt, %get3A_294, %gt3A_296 : vector<16xf32>
      %select_n3A_298 = arith.select %gt3A_297, %broadcast_in_dim3A_7, %broadcast_in_dim3A_9 : vector<16xi1>, vector<16xf32>
      %ge3A_299 = arith.cmpf oge, %get3A_279, %max3A_291 : vector<16xf32>
      %select_n3A_300 = arith.select %ge3A_299, %broadcast_in_dim3A_7, %broadcast_in_dim3A_9 : vector<16xi1>, vector<16xf32>
      %ge3A_301 = arith.cmpf oge, %get3A_282, %max3A_291 : vector<16xf32>
      %select_n3A_302 = arith.select %ge3A_301, %broadcast_in_dim3A_7, %broadcast_in_dim3A_9 : vector<16xi1>, vector<16xf32>
      %ge3A_303 = arith.cmpf oge, %get3A_285, %max3A_291 : vector<16xf32>
      %select_n3A_304 = arith.select %ge3A_303, %broadcast_in_dim3A_7, %broadcast_in_dim3A_9 : vector<16xi1>, vector<16xf32>
      %sub3A_305 = arith.subf %broadcast_in_dim3A_7, %select_n3A_300 : vector<16xf32>
      %sub3A_306 = arith.subf %broadcast_in_dim3A_7, %select_n3A_302 : vector<16xf32>
      %mul3A_307 = arith.mulf %sub3A_305, %sub3A_306 : vector<16xf32>
      %sub3A_308 = arith.subf %broadcast_in_dim3A_7, %select_n3A_304 : vector<16xf32>
      %mul3A_309 = arith.mulf %mul3A_307, %sub3A_308 : vector<16xf32>
      %mul3A_310 = arith.mulf %select_n3A_298, %select_n3A_300 : vector<16xf32>
      %swap3A_311 = arith.constant 80 : index
      %swap3A_312 = tpu.vector_load %arg10[%swap3A_311] {strides = array<i32>} : memref<128xf32, #tpu.memory_space<vmem>>, vector<16xf32>,
      %swap3A_313 = vector.shape_cast %swap3A_312 : vector<16xf32> to vector<16xf32>
      %swap3A_314 = vector.shape_cast %mul3A_310 : vector<16xf32> to vector<16xf32>
      tpu.vector_store %arg10[%swap3A_311], %swap3A_314 {strides = array<i32>} : memref<128xf32, #tpu.memory_space<vmem>>, vector<16xf32>,
      %mul3A_315 = arith.mulf %select_n3A_298, %sub3A_305 : vector<16xf32>
      %mul3A_316 = arith.mulf %mul3A_315, %select_n3A_302 : vector<16xf32>
      %swap3A_317 = arith.constant 80 : index
      %swap3A_318 = tpu.vector_load %arg11[%swap3A_317] {strides = array<i32>} : memref<128xf32, #tpu.memory_space<vmem>>, vector<16xf32>,
      %swap3A_319 = vector.shape_cast %swap3A_318 : vector<16xf32> to vector<16xf32>
      %swap3A_320 = vector.shape_cast %mul3A_316 : vector<16xf32> to vector<16xf32>
      tpu.vector_store %arg11[%swap3A_317], %swap3A_320 {strides = array<i32>} : memref<128xf32, #tpu.memory_space<vmem>>, vector<16xf32>,
      %mul3A_321 = arith.mulf %select_n3A_298, %mul3A_307 : vector<16xf32>
      %mul3A_322 = arith.mulf %mul3A_321, %select_n3A_304 : vector<16xf32>
      %swap3A_323 = arith.constant 80 : index
      %swap3A_324 = tpu.vector_load %arg12[%swap3A_323] {strides = array<i32>} : memref<128xf32, #tpu.memory_space<vmem>>, vector<16xf32>,
      %swap3A_325 = vector.shape_cast %swap3A_324 : vector<16xf32> to vector<16xf32>
      %swap3A_326 = vector.shape_cast %mul3A_322 : vector<16xf32> to vector<16xf32>
      tpu.vector_store %arg12[%swap3A_323], %swap3A_326 {strides = array<i32>} : memref<128xf32, #tpu.memory_space<vmem>>, vector<16xf32>,
      %mul3A_327 = arith.mulf %select_n3A_298, %mul3A_309 : vector<16xf32>
      %swap3A_328 = arith.constant 80 : index
      %swap3A_329 = tpu.vector_load %arg13[%swap3A_328] {strides = array<i32>} : memref<128xf32, #tpu.memory_space<vmem>>, vector<16xf32>,
      %swap3A_330 = vector.shape_cast %swap3A_329 : vector<16xf32> to vector<16xf32>
      %swap3A_331 = vector.shape_cast %mul3A_327 : vector<16xf32> to vector<16xf32>
      tpu.vector_store %arg13[%swap3A_328], %swap3A_331 {strides = array<i32>} : memref<128xf32, #tpu.memory_space<vmem>>, vector<16xf32>,
      %get3A_332 = arith.constant 96 : index
      %get3A_333 = tpu.vector_load %arg5[%get3A_332] {strides = array<i32>} : memref<128xf32, #tpu.memory_space<vmem>>, vector<16xf32>,
      %get3A_334 = vector.shape_cast %get3A_333 : vector<16xf32> to vector<16xf32>
      %get3A_335 = arith.constant 96 : index
      %get3A_336 = tpu.vector_load %arg6[%get3A_335] {strides = array<i32>} : memref<128xf32, #tpu.memory_space<vmem>>, vector<16xf32>,
      %get3A_337 = vector.shape_cast %get3A_336 : vector<16xf32> to vector<16xf32>
      %get3A_338 = arith.constant 96 : index
      %get3A_339 = tpu.vector_load %arg7[%get3A_338] {strides = array<i32>} : memref<128xf32, #tpu.memory_space<vmem>>, vector<16xf32>,
      %get3A_340 = vector.shape_cast %get3A_339 : vector<16xf32> to vector<16xf32>
      %get3A_341 = arith.constant 96 : index
      %get3A_342 = tpu.vector_load %arg8[%get3A_341] {strides = array<i32>} : memref<128xf32, #tpu.memory_space<vmem>>, vector<16xf32>,
      %get3A_343 = vector.shape_cast %get3A_342 : vector<16xf32> to vector<16xf32>
      %max3A_344 = arith.maximumf %get3A_334, %get3A_337 : vector<16xf32>
      %max3A_345 = arith.maximumf %get3A_340, %get3A_343 : vector<16xf32>
      %max3A_346 = arith.maximumf %max3A_344, %max3A_345 : vector<16xf32>
      %get3A_347 = arith.constant 96 : index
      %get3A_348 = tpu.vector_load %arg9[%get3A_347] {strides = array<i32>} : memref<128xf32, #tpu.memory_space<vmem>>, vector<16xf32>,
      %get3A_349 = vector.shape_cast %get3A_348 : vector<16xf32> to vector<16xf32>
      %gt3A_350 = arith.constant 0.000000e+00 : f32
      %gt3A_351 = vector.broadcast %gt3A_350 : f32 to vector<16xf32>
      %gt3A_352 = arith.cmpf ogt, %get3A_349, %gt3A_351 : vector<16xf32>
      %select_n3A_353 = arith.select %gt3A_352, %broadcast_in_dim3A_7, %broadcast_in_dim3A_9 : vector<16xi1>, vector<16xf32>
      %ge3A_354 = arith.cmpf oge, %get3A_334, %max3A_346 : vector<16xf32>
      %select_n3A_355 = arith.select %ge3A_354, %broadcast_in_dim3A_7, %broadcast_in_dim3A_9 : vector<16xi1>, vector<16xf32>
      %ge3A_356 = arith.cmpf oge, %get3A_337, %max3A_346 : vector<16xf32>
      %select_n3A_357 = arith.select %ge3A_356, %broadcast_in_dim3A_7, %broadcast_in_dim3A_9 : vector<16xi1>, vector<16xf32>
      %ge3A_358 = arith.cmpf oge, %get3A_340, %max3A_346 : vector<16xf32>
      %select_n3A_359 = arith.select %ge3A_358, %broadcast_in_dim3A_7, %broadcast_in_dim3A_9 : vector<16xi1>, vector<16xf32>
      %sub3A_360 = arith.subf %broadcast_in_dim3A_7, %select_n3A_355 : vector<16xf32>
      %sub3A_361 = arith.subf %broadcast_in_dim3A_7, %select_n3A_357 : vector<16xf32>
      %mul3A_362 = arith.mulf %sub3A_360, %sub3A_361 : vector<16xf32>
      %sub3A_363 = arith.subf %broadcast_in_dim3A_7, %select_n3A_359 : vector<16xf32>
      %mul3A_364 = arith.mulf %mul3A_362, %sub3A_363 : vector<16xf32>
      %mul3A_365 = arith.mulf %select_n3A_353, %select_n3A_355 : vector<16xf32>
      %swap3A_366 = arith.constant 96 : index
      %swap3A_367 = tpu.vector_load %arg10[%swap3A_366] {strides = array<i32>} : memref<128xf32, #tpu.memory_space<vmem>>, vector<16xf32>,
      %swap3A_368 = vector.shape_cast %swap3A_367 : vector<16xf32> to vector<16xf32>
      %swap3A_369 = vector.shape_cast %mul3A_365 : vector<16xf32> to vector<16xf32>
      tpu.vector_store %arg10[%swap3A_366], %swap3A_369 {strides = array<i32>} : memref<128xf32, #tpu.memory_space<vmem>>, vector<16xf32>,
      %mul3A_370 = arith.mulf %select_n3A_353, %sub3A_360 : vector<16xf32>
      %mul3A_371 = arith.mulf %mul3A_370, %select_n3A_357 : vector<16xf32>
      %swap3A_372 = arith.constant 96 : index
      %swap3A_373 = tpu.vector_load %arg11[%swap3A_372] {strides = array<i32>} : memref<128xf32, #tpu.memory_space<vmem>>, vector<16xf32>,
      %swap3A_374 = vector.shape_cast %swap3A_373 : vector<16xf32> to vector<16xf32>
      %swap3A_375 = vector.shape_cast %mul3A_371 : vector<16xf32> to vector<16xf32>
      tpu.vector_store %arg11[%swap3A_372], %swap3A_375 {strides = array<i32>} : memref<128xf32, #tpu.memory_space<vmem>>, vector<16xf32>,
      %mul3A_376 = arith.mulf %select_n3A_353, %mul3A_362 : vector<16xf32>
      %mul3A_377 = arith.mulf %mul3A_376, %select_n3A_359 : vector<16xf32>
      %swap3A_378 = arith.constant 96 : index
      %swap3A_379 = tpu.vector_load %arg12[%swap3A_378] {strides = array<i32>} : memref<128xf32, #tpu.memory_space<vmem>>, vector<16xf32>,
      %swap3A_380 = vector.shape_cast %swap3A_379 : vector<16xf32> to vector<16xf32>
      %swap3A_381 = vector.shape_cast %mul3A_377 : vector<16xf32> to vector<16xf32>
      tpu.vector_store %arg12[%swap3A_378], %swap3A_381 {strides = array<i32>} : memref<128xf32, #tpu.memory_space<vmem>>, vector<16xf32>,
      %mul3A_382 = arith.mulf %select_n3A_353, %mul3A_364 : vector<16xf32>
      %swap3A_383 = arith.constant 96 : index
      %swap3A_384 = tpu.vector_load %arg13[%swap3A_383] {strides = array<i32>} : memref<128xf32, #tpu.memory_space<vmem>>, vector<16xf32>,
      %swap3A_385 = vector.shape_cast %swap3A_384 : vector<16xf32> to vector<16xf32>
      %swap3A_386 = vector.shape_cast %mul3A_382 : vector<16xf32> to vector<16xf32>
      tpu.vector_store %arg13[%swap3A_383], %swap3A_386 {strides = array<i32>} : memref<128xf32, #tpu.memory_space<vmem>>, vector<16xf32>,
      %get3A_387 = arith.constant 112 : index
      %get3A_388 = tpu.vector_load %arg5[%get3A_387] {strides = array<i32>} : memref<128xf32, #tpu.memory_space<vmem>>, vector<16xf32>,
      %get3A_389 = vector.shape_cast %get3A_388 : vector<16xf32> to vector<16xf32>
      %get3A_390 = arith.constant 112 : index
      %get3A_391 = tpu.vector_load %arg6[%get3A_390] {strides = array<i32>} : memref<128xf32, #tpu.memory_space<vmem>>, vector<16xf32>,
      %get3A_392 = vector.shape_cast %get3A_391 : vector<16xf32> to vector<16xf32>
      %get3A_393 = arith.constant 112 : index
      %get3A_394 = tpu.vector_load %arg7[%get3A_393] {strides = array<i32>} : memref<128xf32, #tpu.memory_space<vmem>>, vector<16xf32>,
      %get3A_395 = vector.shape_cast %get3A_394 : vector<16xf32> to vector<16xf32>
      %get3A_396 = arith.constant 112 : index
      %get3A_397 = tpu.vector_load %arg8[%get3A_396] {strides = array<i32>} : memref<128xf32, #tpu.memory_space<vmem>>, vector<16xf32>,
      %get3A_398 = vector.shape_cast %get3A_397 : vector<16xf32> to vector<16xf32>
      %max3A_399 = arith.maximumf %get3A_389, %get3A_392 : vector<16xf32>
      %max3A_400 = arith.maximumf %get3A_395, %get3A_398 : vector<16xf32>
      %max3A_401 = arith.maximumf %max3A_399, %max3A_400 : vector<16xf32>
      %get3A_402 = arith.constant 112 : index
      %get3A_403 = tpu.vector_load %arg9[%get3A_402] {strides = array<i32>} : memref<128xf32, #tpu.memory_space<vmem>>, vector<16xf32>,
      %get3A_404 = vector.shape_cast %get3A_403 : vector<16xf32> to vector<16xf32>
      %gt3A_405 = arith.constant 0.000000e+00 : f32
      %gt3A_406 = vector.broadcast %gt3A_405 : f32 to vector<16xf32>
      %gt3A_407 = arith.cmpf ogt, %get3A_404, %gt3A_406 : vector<16xf32>
      %select_n3A_408 = arith.select %gt3A_407, %broadcast_in_dim3A_7, %broadcast_in_dim3A_9 : vector<16xi1>, vector<16xf32>
      %ge3A_409 = arith.cmpf oge, %get3A_389, %max3A_401 : vector<16xf32>
      %select_n3A_410 = arith.select %ge3A_409, %broadcast_in_dim3A_7, %broadcast_in_dim3A_9 : vector<16xi1>, vector<16xf32>
      %ge3A_411 = arith.cmpf oge, %get3A_392, %max3A_401 : vector<16xf32>
      %select_n3A_412 = arith.select %ge3A_411, %broadcast_in_dim3A_7, %broadcast_in_dim3A_9 : vector<16xi1>, vector<16xf32>
      %ge3A_413 = arith.cmpf oge, %get3A_395, %max3A_401 : vector<16xf32>
      %select_n3A_414 = arith.select %ge3A_413, %broadcast_in_dim3A_7, %broadcast_in_dim3A_9 : vector<16xi1>, vector<16xf32>
      %sub3A_415 = arith.subf %broadcast_in_dim3A_7, %select_n3A_410 : vector<16xf32>
      %sub3A_416 = arith.subf %broadcast_in_dim3A_7, %select_n3A_412 : vector<16xf32>
      %mul3A_417 = arith.mulf %sub3A_415, %sub3A_416 : vector<16xf32>
      %sub3A_418 = arith.subf %broadcast_in_dim3A_7, %select_n3A_414 : vector<16xf32>
      %mul3A_419 = arith.mulf %mul3A_417, %sub3A_418 : vector<16xf32>
      %mul3A_420 = arith.mulf %select_n3A_408, %select_n3A_410 : vector<16xf32>
      %swap3A_421 = arith.constant 112 : index
      %swap3A_422 = tpu.vector_load %arg10[%swap3A_421] {strides = array<i32>} : memref<128xf32, #tpu.memory_space<vmem>>, vector<16xf32>,
      %swap3A_423 = vector.shape_cast %swap3A_422 : vector<16xf32> to vector<16xf32>
      %swap3A_424 = vector.shape_cast %mul3A_420 : vector<16xf32> to vector<16xf32>
      tpu.vector_store %arg10[%swap3A_421], %swap3A_424 {strides = array<i32>} : memref<128xf32, #tpu.memory_space<vmem>>, vector<16xf32>,
      %mul3A_425 = arith.mulf %select_n3A_408, %sub3A_415 : vector<16xf32>
      %mul3A_426 = arith.mulf %mul3A_425, %select_n3A_412 : vector<16xf32>
      %swap3A_427 = arith.constant 112 : index
      %swap3A_428 = tpu.vector_load %arg11[%swap3A_427] {strides = array<i32>} : memref<128xf32, #tpu.memory_space<vmem>>, vector<16xf32>,
      %swap3A_429 = vector.shape_cast %swap3A_428 : vector<16xf32> to vector<16xf32>
      %swap3A_430 = vector.shape_cast %mul3A_426 : vector<16xf32> to vector<16xf32>
      tpu.vector_store %arg11[%swap3A_427], %swap3A_430 {strides = array<i32>} : memref<128xf32, #tpu.memory_space<vmem>>, vector<16xf32>,
      %mul3A_431 = arith.mulf %select_n3A_408, %mul3A_417 : vector<16xf32>
      %mul3A_432 = arith.mulf %mul3A_431, %select_n3A_414 : vector<16xf32>
      %swap3A_433 = arith.constant 112 : index
      %swap3A_434 = tpu.vector_load %arg12[%swap3A_433] {strides = array<i32>} : memref<128xf32, #tpu.memory_space<vmem>>, vector<16xf32>,
      %swap3A_435 = vector.shape_cast %swap3A_434 : vector<16xf32> to vector<16xf32>
      %swap3A_436 = vector.shape_cast %mul3A_432 : vector<16xf32> to vector<16xf32>
      tpu.vector_store %arg12[%swap3A_433], %swap3A_436 {strides = array<i32>} : memref<128xf32, #tpu.memory_space<vmem>>, vector<16xf32>,
      %mul3A_437 = arith.mulf %select_n3A_408, %mul3A_419 : vector<16xf32>
      %swap3A_438 = arith.constant 112 : index
      %swap3A_439 = tpu.vector_load %arg13[%swap3A_438] {strides = array<i32>} : memref<128xf32, #tpu.memory_space<vmem>>, vector<16xf32>,
      %swap3A_440 = vector.shape_cast %swap3A_439 : vector<16xf32> to vector<16xf32>
      %swap3A_441 = vector.shape_cast %mul3A_437 : vector<16xf32> to vector<16xf32>
      tpu.vector_store %arg13[%swap3A_438], %swap3A_441 {strides = array<i32>} : memref<128xf32, #tpu.memory_space<vmem>>, vector<16xf32>,
      %run_scoped3A_442 = arith.constant 0 : i32
      "tpu.region"() ({
        %run_scoped3A_446 = tpu.sem_alloc : memref<!tpu.dma_semaphore, #tpu.memory_space<semaphore_mem>>
        %dma_start3A = arith.constant 0 : i32
        %dma_start3A_447 = tpu.memref_slice %arg4[%run_scoped3A_442, %dma_start3A] : memref<4x128xf32, #tpu.memory_space<hbm>> -> memref<1x128xf32, #tpu.memory_space<hbm>>
        %dma_start3A_448 = tpu.memref_squeeze %dma_start3A_447 : memref<1x128xf32, #tpu.memory_space<hbm>> -> memref<128xf32, #tpu.memory_space<hbm>>
        %dma_start3A_449 = arith.constant 0 : i32
        %dma_start3A_450 = tpu.memref_slice %arg4[%run_scoped3A_442, %dma_start3A_449] : memref<4x128xf32, #tpu.memory_space<hbm>> -> memref<1x128xf32, #tpu.memory_space<hbm>>
        %dma_start3A_451 = tpu.memref_squeeze %dma_start3A_450 : memref<1x128xf32, #tpu.memory_space<hbm>> -> memref<128xf32, #tpu.memory_space<hbm>>
        tpu.enqueue_dma source(%arg10 : memref<128xf32, #tpu.memory_space<vmem>>) target(%dma_start3A_451 : memref<128xf32, #tpu.memory_space<hbm>>) target_semaphore(%run_scoped3A_446 : memref<!tpu.dma_semaphore, #tpu.memory_space<semaphore_mem>>)
        %dma_wait3A = arith.constant 0 : i32
        %dma_wait3A_452 = tpu.memref_slice %arg4[%run_scoped3A_442, %dma_wait3A] : memref<4x128xf32, #tpu.memory_space<hbm>> -> memref<1x128xf32, #tpu.memory_space<hbm>>
        %dma_wait3A_453 = tpu.memref_squeeze %dma_wait3A_452 : memref<1x128xf32, #tpu.memory_space<hbm>> -> memref<128xf32, #tpu.memory_space<hbm>>
        %dma_wait3A_454 = arith.constant 0 : i32
        %dma_wait3A_455 = tpu.memref_slice %arg4[%run_scoped3A_442, %dma_wait3A_454] : memref<4x128xf32, #tpu.memory_space<hbm>> -> memref<1x128xf32, #tpu.memory_space<hbm>>
        %dma_wait3A_456 = tpu.memref_squeeze %dma_wait3A_455 : memref<1x128xf32, #tpu.memory_space<hbm>> -> memref<128xf32, #tpu.memory_space<hbm>>
        tpu.wait_dma2 semaphore(%run_scoped3A_446 : memref<!tpu.dma_semaphore, #tpu.memory_space<semaphore_mem>>) src(%arg10 : memref<128xf32, #tpu.memory_space<vmem>>) dst(%dma_wait3A_456 : memref<128xf32, #tpu.memory_space<hbm>>)
        tpu.yield
      }) : () -> ()
      %run_scoped3A_443 = arith.constant 1 : i32
      "tpu.region"() ({
        %run_scoped3A_446 = tpu.sem_alloc : memref<!tpu.dma_semaphore, #tpu.memory_space<semaphore_mem>>
        %dma_start3A = arith.constant 0 : i32
        %dma_start3A_447 = tpu.memref_slice %arg4[%run_scoped3A_443, %dma_start3A] : memref<4x128xf32, #tpu.memory_space<hbm>> -> memref<1x128xf32, #tpu.memory_space<hbm>>
        %dma_start3A_448 = tpu.memref_squeeze %dma_start3A_447 : memref<1x128xf32, #tpu.memory_space<hbm>> -> memref<128xf32, #tpu.memory_space<hbm>>
        %dma_start3A_449 = arith.constant 0 : i32
        %dma_start3A_450 = tpu.memref_slice %arg4[%run_scoped3A_443, %dma_start3A_449] : memref<4x128xf32, #tpu.memory_space<hbm>> -> memref<1x128xf32, #tpu.memory_space<hbm>>
        %dma_start3A_451 = tpu.memref_squeeze %dma_start3A_450 : memref<1x128xf32, #tpu.memory_space<hbm>> -> memref<128xf32, #tpu.memory_space<hbm>>
        tpu.enqueue_dma source(%arg11 : memref<128xf32, #tpu.memory_space<vmem>>) target(%dma_start3A_451 : memref<128xf32, #tpu.memory_space<hbm>>) target_semaphore(%run_scoped3A_446 : memref<!tpu.dma_semaphore, #tpu.memory_space<semaphore_mem>>)
        %dma_wait3A = arith.constant 0 : i32
        %dma_wait3A_452 = tpu.memref_slice %arg4[%run_scoped3A_443, %dma_wait3A] : memref<4x128xf32, #tpu.memory_space<hbm>> -> memref<1x128xf32, #tpu.memory_space<hbm>>
        %dma_wait3A_453 = tpu.memref_squeeze %dma_wait3A_452 : memref<1x128xf32, #tpu.memory_space<hbm>> -> memref<128xf32, #tpu.memory_space<hbm>>
        %dma_wait3A_454 = arith.constant 0 : i32
        %dma_wait3A_455 = tpu.memref_slice %arg4[%run_scoped3A_443, %dma_wait3A_454] : memref<4x128xf32, #tpu.memory_space<hbm>> -> memref<1x128xf32, #tpu.memory_space<hbm>>
        %dma_wait3A_456 = tpu.memref_squeeze %dma_wait3A_455 : memref<1x128xf32, #tpu.memory_space<hbm>> -> memref<128xf32, #tpu.memory_space<hbm>>
        tpu.wait_dma2 semaphore(%run_scoped3A_446 : memref<!tpu.dma_semaphore, #tpu.memory_space<semaphore_mem>>) src(%arg11 : memref<128xf32, #tpu.memory_space<vmem>>) dst(%dma_wait3A_456 : memref<128xf32, #tpu.memory_space<hbm>>)
        tpu.yield
      }) : () -> ()
      %run_scoped3A_444 = arith.constant 2 : i32
      "tpu.region"() ({
        %run_scoped3A_446 = tpu.sem_alloc : memref<!tpu.dma_semaphore, #tpu.memory_space<semaphore_mem>>
        %dma_start3A = arith.constant 0 : i32
        %dma_start3A_447 = tpu.memref_slice %arg4[%run_scoped3A_444, %dma_start3A] : memref<4x128xf32, #tpu.memory_space<hbm>> -> memref<1x128xf32, #tpu.memory_space<hbm>>
        %dma_start3A_448 = tpu.memref_squeeze %dma_start3A_447 : memref<1x128xf32, #tpu.memory_space<hbm>> -> memref<128xf32, #tpu.memory_space<hbm>>
        %dma_start3A_449 = arith.constant 0 : i32
        %dma_start3A_450 = tpu.memref_slice %arg4[%run_scoped3A_444, %dma_start3A_449] : memref<4x128xf32, #tpu.memory_space<hbm>> -> memref<1x128xf32, #tpu.memory_space<hbm>>
        %dma_start3A_451 = tpu.memref_squeeze %dma_start3A_450 : memref<1x128xf32, #tpu.memory_space<hbm>> -> memref<128xf32, #tpu.memory_space<hbm>>
        tpu.enqueue_dma source(%arg12 : memref<128xf32, #tpu.memory_space<vmem>>) target(%dma_start3A_451 : memref<128xf32, #tpu.memory_space<hbm>>) target_semaphore(%run_scoped3A_446 : memref<!tpu.dma_semaphore, #tpu.memory_space<semaphore_mem>>)
        %dma_wait3A = arith.constant 0 : i32
        %dma_wait3A_452 = tpu.memref_slice %arg4[%run_scoped3A_444, %dma_wait3A] : memref<4x128xf32, #tpu.memory_space<hbm>> -> memref<1x128xf32, #tpu.memory_space<hbm>>
        %dma_wait3A_453 = tpu.memref_squeeze %dma_wait3A_452 : memref<1x128xf32, #tpu.memory_space<hbm>> -> memref<128xf32, #tpu.memory_space<hbm>>
        %dma_wait3A_454 = arith.constant 0 : i32
        %dma_wait3A_455 = tpu.memref_slice %arg4[%run_scoped3A_444, %dma_wait3A_454] : memref<4x128xf32, #tpu.memory_space<hbm>> -> memref<1x128xf32, #tpu.memory_space<hbm>>
        %dma_wait3A_456 = tpu.memref_squeeze %dma_wait3A_455 : memref<1x128xf32, #tpu.memory_space<hbm>> -> memref<128xf32, #tpu.memory_space<hbm>>
        tpu.wait_dma2 semaphore(%run_scoped3A_446 : memref<!tpu.dma_semaphore, #tpu.memory_space<semaphore_mem>>) src(%arg12 : memref<128xf32, #tpu.memory_space<vmem>>) dst(%dma_wait3A_456 : memref<128xf32, #tpu.memory_space<hbm>>)
        tpu.yield
      }) : () -> ()
      %run_scoped3A_445 = arith.constant 3 : i32
      "tpu.region"() ({
        %run_scoped3A_446 = tpu.sem_alloc : memref<!tpu.dma_semaphore, #tpu.memory_space<semaphore_mem>>
        %dma_start3A = arith.constant 0 : i32
        %dma_start3A_447 = tpu.memref_slice %arg4[%run_scoped3A_445, %dma_start3A] : memref<4x128xf32, #tpu.memory_space<hbm>> -> memref<1x128xf32, #tpu.memory_space<hbm>>
        %dma_start3A_448 = tpu.memref_squeeze %dma_start3A_447 : memref<1x128xf32, #tpu.memory_space<hbm>> -> memref<128xf32, #tpu.memory_space<hbm>>
        %dma_start3A_449 = arith.constant 0 : i32
        %dma_start3A_450 = tpu.memref_slice %arg4[%run_scoped3A_445, %dma_start3A_449] : memref<4x128xf32, #tpu.memory_space<hbm>> -> memref<1x128xf32, #tpu.memory_space<hbm>>
        %dma_start3A_451 = tpu.memref_squeeze %dma_start3A_450 : memref<1x128xf32, #tpu.memory_space<hbm>> -> memref<128xf32, #tpu.memory_space<hbm>>
        tpu.enqueue_dma source(%arg13 : memref<128xf32, #tpu.memory_space<vmem>>) target(%dma_start3A_451 : memref<128xf32, #tpu.memory_space<hbm>>) target_semaphore(%run_scoped3A_446 : memref<!tpu.dma_semaphore, #tpu.memory_space<semaphore_mem>>)
        %dma_wait3A = arith.constant 0 : i32
        %dma_wait3A_452 = tpu.memref_slice %arg4[%run_scoped3A_445, %dma_wait3A] : memref<4x128xf32, #tpu.memory_space<hbm>> -> memref<1x128xf32, #tpu.memory_space<hbm>>
        %dma_wait3A_453 = tpu.memref_squeeze %dma_wait3A_452 : memref<1x128xf32, #tpu.memory_space<hbm>> -> memref<128xf32, #tpu.memory_space<hbm>>
        %dma_wait3A_454 = arith.constant 0 : i32
        %dma_wait3A_455 = tpu.memref_slice %arg4[%run_scoped3A_445, %dma_wait3A_454] : memref<4x128xf32, #tpu.memory_space<hbm>> -> memref<1x128xf32, #tpu.memory_space<hbm>>
        %dma_wait3A_456 = tpu.memref_squeeze %dma_wait3A_455 : memref<1x128xf32, #tpu.memory_space<hbm>> -> memref<128xf32, #tpu.memory_space<hbm>>
        tpu.wait_dma2 semaphore(%run_scoped3A_446 : memref<!tpu.dma_semaphore, #tpu.memory_space<semaphore_mem>>) src(%arg13 : memref<128xf32, #tpu.memory_space<vmem>>) dst(%dma_wait3A_456 : memref<128xf32, #tpu.memory_space<hbm>>)
        tpu.yield
      }) : () -> ()
    } else {
    }
    return
  }
}

module attributes {stable_mosaic.version = 14 : i64} {
  func.func @_body(%arg0: i32, %arg1: i32, %arg2: memref<8192x128xf32, #tpu.memory_space<vmem>>, %arg3: memref<4x128xf32, #tpu.memory_space<vmem>>, %arg4: memref<8192x128xf32, #tpu.memory_space<vmem>>, %arg5: memref<8x128xf32, #tpu.memory_space<vmem>>, %arg6: memref<16384x128xf32, #tpu.memory_space<vmem>>) attributes {dimension_semantics = [#tpu.dimension_semantics<arbitrary>, #tpu.dimension_semantics<arbitrary>], iteration_bounds = array<i64: 2, 2>, scalar_prefetch = 0 : i64, scratch_operands = 2 : i64, tpu.core_type = #tpu.core_type<tc>, window_params = [{transform_indices = @transform_0, window_bounds = array<i64: 8192, 128>}, {pipeline_mode = #tpu.pipeline_mode<synchronous>, transform_indices = @transform_1, window_bounds = array<i64: 4, 128>}, {transform_indices = @transform_2, window_bounds = array<i64: 8192, 128>}]} {
    %eq3A = arith.constant 0 : i32
    %eq3A_0 = arith.cmpi eq, %arg0, %eq3A : i32
    %convert_element_type3A = arith.extui %eq3A_0 : i1 to i32
    %cond3A = arith.constant 0 : i32
    %cond3A_1 = arith.cmpi ne, %convert_element_type3A, %cond3A : i32
    scf.if %cond3A_1 {
      %get3A = arith.constant 0 : index
      %get3A_7 = arith.constant 0 : index
      %get3A_8 = vector.load %arg2[%get3A, %get3A_7] : memref<8192x128xf32, #tpu.memory_space<vmem>>, vector<8192x128xf32>
      %mul3A = arith.constant 8192 : i32
      %mul3A_9 = arith.muli %arg1, %mul3A : i32
      %swap3A = arith.index_cast %mul3A_9 : i32 to index
      %swap3A_10 = arith.constant 0 : index
      %swap3A_11 = vector.load %arg6[%swap3A, %swap3A_10] : memref<16384x128xf32, #tpu.memory_space<vmem>>, vector<8192x128xf32>
      tpu.vector_store %arg6[%swap3A, %swap3A_10], %get3A_8 {strides = array<i32>} : memref<16384x128xf32, #tpu.memory_space<vmem>>, vector<8192x128xf32>,
      %reduce_sum3A = arith.constant dense<0.000000e+00> : vector<128xf32>
      %reduce_sum3A_12 = vector.multi_reduction <add>, %get3A_8, %reduce_sum3A [0] : vector<8192x128xf32> to vector<128xf32>
      %broadcast_in_dim3A = vector.shape_cast %reduce_sum3A_12 : vector<128xf32> to vector<1x128xf32>
      %mul3A_13 = arith.mulf %get3A_8, %get3A_8 : vector<8192x128xf32>
      %reduce_sum3A_14 = arith.constant dense<0.000000e+00> : vector<128xf32>
      %reduce_sum3A_15 = vector.multi_reduction <add>, %mul3A_13, %reduce_sum3A_14 [0] : vector<8192x128xf32> to vector<128xf32>
      %broadcast_in_dim3A_16 = vector.shape_cast %reduce_sum3A_15 : vector<128xf32> to vector<1x128xf32>
      %reduce_min3A = arith.constant dense<0x7F800000> : vector<128xf32>
      %reduce_min3A_17 = vector.multi_reduction <minimumf>, %get3A_8, %reduce_min3A [0] : vector<8192x128xf32> to vector<128xf32>
      %broadcast_in_dim3A_18 = vector.shape_cast %reduce_min3A_17 : vector<128xf32> to vector<1x128xf32>
      %reduce_max3A = arith.constant dense<0xFF800000> : vector<128xf32>
      %reduce_max3A_19 = vector.multi_reduction <maximumf>, %get3A_8, %reduce_max3A [0] : vector<8192x128xf32> to vector<128xf32>
      %broadcast_in_dim3A_20 = vector.shape_cast %reduce_max3A_19 : vector<128xf32> to vector<1x128xf32>
      %eq3A_21 = arith.constant 0 : i32
      %eq3A_22 = arith.cmpi eq, %arg1, %eq3A_21 : i32
      %convert_element_type3A_23 = arith.extui %eq3A_22 : i1 to i32
      %cond3A_24 = arith.constant 0 : i32
      %cond3A_25 = arith.cmpi ne, %convert_element_type3A_23, %cond3A_24 : i32
      scf.if %cond3A_25 {
        %swap3A_35 = arith.constant 0 : index
        %swap3A_36 = arith.constant 0 : index
        %swap3A_37 = vector.load %arg5[%swap3A_35, %swap3A_36] : memref<8x128xf32, #tpu.memory_space<vmem>>, vector<1x128xf32>
        tpu.vector_store %arg5[%swap3A_35, %swap3A_36], %broadcast_in_dim3A {strides = array<i32>} : memref<8x128xf32, #tpu.memory_space<vmem>>, vector<1x128xf32>,
        %swap3A_38 = arith.constant 1 : index
        %swap3A_39 = arith.constant 0 : index
        %swap3A_40 = vector.load %arg5[%swap3A_38, %swap3A_39] : memref<8x128xf32, #tpu.memory_space<vmem>>, vector<1x128xf32>
        tpu.vector_store %arg5[%swap3A_38, %swap3A_39], %broadcast_in_dim3A_16 {strides = array<i32>} : memref<8x128xf32, #tpu.memory_space<vmem>>, vector<1x128xf32>,
        %swap3A_41 = arith.constant 2 : index
        %swap3A_42 = arith.constant 0 : index
        %swap3A_43 = vector.load %arg5[%swap3A_41, %swap3A_42] : memref<8x128xf32, #tpu.memory_space<vmem>>, vector<1x128xf32>
        tpu.vector_store %arg5[%swap3A_41, %swap3A_42], %broadcast_in_dim3A_18 {strides = array<i32>} : memref<8x128xf32, #tpu.memory_space<vmem>>, vector<1x128xf32>,
        %swap3A_44 = arith.constant 3 : index
        %swap3A_45 = arith.constant 0 : index
        %swap3A_46 = vector.load %arg5[%swap3A_44, %swap3A_45] : memref<8x128xf32, #tpu.memory_space<vmem>>, vector<1x128xf32>
        tpu.vector_store %arg5[%swap3A_44, %swap3A_45], %broadcast_in_dim3A_20 {strides = array<i32>} : memref<8x128xf32, #tpu.memory_space<vmem>>, vector<1x128xf32>,
      } else {
      }
      %gt3A = arith.constant 0 : i32
      %gt3A_26 = arith.cmpi sgt, %arg1, %gt3A : i32
      %convert_element_type3A_27 = arith.extui %gt3A_26 : i1 to i32
      %cond3A_28 = arith.constant 0 : i32
      %cond3A_29 = arith.cmpi ne, %convert_element_type3A_27, %cond3A_28 : i32
      scf.if %cond3A_29 {
        %get3A_35 = arith.constant 0 : index
        %get3A_36 = arith.constant 0 : index
        %get3A_37 = vector.load %arg5[%get3A_35, %get3A_36] : memref<8x128xf32, #tpu.memory_space<vmem>>, vector<1x128xf32>
        %add3A = arith.addf %get3A_37, %broadcast_in_dim3A : vector<1x128xf32>
        %swap3A_38 = arith.constant 0 : index
        %swap3A_39 = arith.constant 0 : index
        %swap3A_40 = vector.load %arg5[%swap3A_38, %swap3A_39] : memref<8x128xf32, #tpu.memory_space<vmem>>, vector<1x128xf32>
        tpu.vector_store %arg5[%swap3A_38, %swap3A_39], %add3A {strides = array<i32>} : memref<8x128xf32, #tpu.memory_space<vmem>>, vector<1x128xf32>,
        %get3A_41 = arith.constant 1 : index
        %get3A_42 = arith.constant 0 : index
        %get3A_43 = vector.load %arg5[%get3A_41, %get3A_42] : memref<8x128xf32, #tpu.memory_space<vmem>>, vector<1x128xf32>
        %add3A_44 = arith.addf %get3A_43, %broadcast_in_dim3A_16 : vector<1x128xf32>
        %swap3A_45 = arith.constant 1 : index
        %swap3A_46 = arith.constant 0 : index
        %swap3A_47 = vector.load %arg5[%swap3A_45, %swap3A_46] : memref<8x128xf32, #tpu.memory_space<vmem>>, vector<1x128xf32>
        tpu.vector_store %arg5[%swap3A_45, %swap3A_46], %add3A_44 {strides = array<i32>} : memref<8x128xf32, #tpu.memory_space<vmem>>, vector<1x128xf32>,
        %get3A_48 = arith.constant 2 : index
        %get3A_49 = arith.constant 0 : index
        %get3A_50 = vector.load %arg5[%get3A_48, %get3A_49] : memref<8x128xf32, #tpu.memory_space<vmem>>, vector<1x128xf32>
        %min3A = arith.minimumf %get3A_50, %broadcast_in_dim3A_18 : vector<1x128xf32>
        %swap3A_51 = arith.constant 2 : index
        %swap3A_52 = arith.constant 0 : index
        %swap3A_53 = vector.load %arg5[%swap3A_51, %swap3A_52] : memref<8x128xf32, #tpu.memory_space<vmem>>, vector<1x128xf32>
        tpu.vector_store %arg5[%swap3A_51, %swap3A_52], %min3A {strides = array<i32>} : memref<8x128xf32, #tpu.memory_space<vmem>>, vector<1x128xf32>,
        %get3A_54 = arith.constant 3 : index
        %get3A_55 = arith.constant 0 : index
        %get3A_56 = vector.load %arg5[%get3A_54, %get3A_55] : memref<8x128xf32, #tpu.memory_space<vmem>>, vector<1x128xf32>
        %max3A = arith.maximumf %get3A_56, %broadcast_in_dim3A_20 : vector<1x128xf32>
        %swap3A_57 = arith.constant 3 : index
        %swap3A_58 = arith.constant 0 : index
        %swap3A_59 = vector.load %arg5[%swap3A_57, %swap3A_58] : memref<8x128xf32, #tpu.memory_space<vmem>>, vector<1x128xf32>
        tpu.vector_store %arg5[%swap3A_57, %swap3A_58], %max3A {strides = array<i32>} : memref<8x128xf32, #tpu.memory_space<vmem>>, vector<1x128xf32>,
      } else {
      }
      %eq3A_30 = arith.constant 1 : i32
      %eq3A_31 = arith.cmpi eq, %arg1, %eq3A_30 : i32
      %convert_element_type3A_32 = arith.extui %eq3A_31 : i1 to i32
      %cond3A_33 = arith.constant 0 : i32
      %cond3A_34 = arith.cmpi ne, %convert_element_type3A_32, %cond3A_33 : i32
      scf.if %cond3A_34 {
        %get3A_35 = arith.constant 0 : index
        %get3A_36 = arith.constant 0 : index
        %get3A_37 = vector.load %arg5[%get3A_35, %get3A_36] : memref<8x128xf32, #tpu.memory_space<vmem>>, vector<1x128xf32>
        %get3A_38 = arith.constant 1 : index
        %get3A_39 = arith.constant 0 : index
        %get3A_40 = vector.load %arg5[%get3A_38, %get3A_39] : memref<8x128xf32, #tpu.memory_space<vmem>>, vector<1x128xf32>
        %get3A_41 = arith.constant 2 : index
        %get3A_42 = arith.constant 0 : index
        %get3A_43 = vector.load %arg5[%get3A_41, %get3A_42] : memref<8x128xf32, #tpu.memory_space<vmem>>, vector<1x128xf32>
        %get3A_44 = arith.constant 3 : index
        %get3A_45 = arith.constant 0 : index
        %get3A_46 = vector.load %arg5[%get3A_44, %get3A_45] : memref<8x128xf32, #tpu.memory_space<vmem>>, vector<1x128xf32>
        %div3A = arith.constant 1.638400e+04 : f32
        %div3A_47 = vector.broadcast %div3A : f32 to vector<1x128xf32>
        %div3A_48 = arith.divf %get3A_37, %div3A_47 : vector<1x128xf32>
        %div3A_49 = arith.constant 1.638400e+04 : f32
        %div3A_50 = vector.broadcast %div3A_49 : f32 to vector<1x128xf32>
        %div3A_51 = arith.divf %get3A_40, %div3A_50 : vector<1x128xf32>
        %mul3A_52 = arith.mulf %div3A_48, %div3A_48 : vector<1x128xf32>
        %sub3A = arith.subf %div3A_51, %mul3A_52 : vector<1x128xf32>
        %max3A = arith.constant 0.000000e+00 : f32
        %max3A_53 = vector.broadcast %max3A : f32 to vector<1x128xf32>
        %max3A_54 = arith.maximumf %sub3A, %max3A_53 : vector<1x128xf32>
        %sqrt3A = math.sqrt %max3A_54 : vector<1x128xf32>
        %abs3A = math.absf %get3A_43 : vector<1x128xf32>
        %abs3A_55 = math.absf %get3A_46 : vector<1x128xf32>
        %max3A_56 = arith.maximumf %abs3A, %abs3A_55 : vector<1x128xf32>
        %add3A = arith.constant 9.99999997E-7 : f32
        %add3A_57 = vector.broadcast %add3A : f32 to vector<1x128xf32>
        %add3A_58 = arith.addf %sqrt3A, %add3A_57 : vector<1x128xf32>
        %div3A_59 = arith.constant 1.000000e+00 : f32
        %div3A_60 = vector.broadcast %div3A_59 : f32 to vector<1x128xf32>
        %div3A_61 = arith.divf %div3A_60, %add3A_58 : vector<1x128xf32>
        %neg3A = arith.constant 0.000000e+00 : f32
        %neg3A_62 = vector.broadcast %neg3A : f32 to vector<1x128xf32>
        %neg3A_63 = arith.subf %neg3A_62, %div3A_48 : vector<1x128xf32>
        %mul3A_64 = arith.mulf %neg3A_63, %div3A_61 : vector<1x128xf32>
        %sub3A_65 = arith.subf %get3A_46, %get3A_43 : vector<1x128xf32>
        %add3A_66 = arith.constant 9.99999997E-7 : f32
        %add3A_67 = vector.broadcast %add3A_66 : f32 to vector<1x128xf32>
        %add3A_68 = arith.addf %sub3A_65, %add3A_67 : vector<1x128xf32>
        %div3A_69 = arith.constant 1.000000e+00 : f32
        %div3A_70 = vector.broadcast %div3A_69 : f32 to vector<1x128xf32>
        %div3A_71 = arith.divf %div3A_70, %add3A_68 : vector<1x128xf32>
        %neg3A_72 = arith.constant 0.000000e+00 : f32
        %neg3A_73 = vector.broadcast %neg3A_72 : f32 to vector<1x128xf32>
        %neg3A_74 = arith.subf %neg3A_73, %get3A_43 : vector<1x128xf32>
        %mul3A_75 = arith.mulf %neg3A_74, %div3A_71 : vector<1x128xf32>
        %add3A_76 = arith.constant 9.99999997E-7 : f32
        %add3A_77 = vector.broadcast %add3A_76 : f32 to vector<1x128xf32>
        %add3A_78 = arith.addf %max3A_56, %add3A_77 : vector<1x128xf32>
        %div3A_79 = arith.constant 1.000000e+00 : f32
        %div3A_80 = vector.broadcast %div3A_79 : f32 to vector<1x128xf32>
        %div3A_81 = arith.divf %div3A_80, %add3A_78 : vector<1x128xf32>
        %get3A_82 = arith.constant 0 : index
        %get3A_83 = arith.constant 0 : index
        %get3A_84 = vector.load %arg3[%get3A_82, %get3A_83] : memref<4x128xf32, #tpu.memory_space<vmem>>, vector<1x128xf32>
        %get3A_85 = arith.constant 1 : index
        %get3A_86 = arith.constant 0 : index
        %get3A_87 = vector.load %arg3[%get3A_85, %get3A_86] : memref<4x128xf32, #tpu.memory_space<vmem>>, vector<1x128xf32>
        %get3A_88 = arith.constant 2 : index
        %get3A_89 = arith.constant 0 : index
        %get3A_90 = vector.load %arg3[%get3A_88, %get3A_89] : memref<4x128xf32, #tpu.memory_space<vmem>>, vector<1x128xf32>
        %get3A_91 = arith.constant 3 : index
        %get3A_92 = arith.constant 0 : index
        %get3A_93 = vector.load %arg3[%get3A_91, %get3A_92] : memref<4x128xf32, #tpu.memory_space<vmem>>, vector<1x128xf32>
        %sub3A_94 = arith.constant 1.000000e+00 : f32
        %sub3A_95 = vector.broadcast %sub3A_94 : f32 to vector<1x128xf32>
        %sub3A_96 = arith.subf %div3A_61, %sub3A_95 : vector<1x128xf32>
        %mul3A_97 = arith.mulf %get3A_84, %sub3A_96 : vector<1x128xf32>
        %add3A_98 = arith.constant 1.000000e+00 : f32
        %add3A_99 = vector.broadcast %add3A_98 : f32 to vector<1x128xf32>
        %add3A_100 = arith.addf %add3A_99, %mul3A_97 : vector<1x128xf32>
        %sub3A_101 = arith.constant 1.000000e+00 : f32
        %sub3A_102 = vector.broadcast %sub3A_101 : f32 to vector<1x128xf32>
        %sub3A_103 = arith.subf %div3A_71, %sub3A_102 : vector<1x128xf32>
        %mul3A_104 = arith.mulf %get3A_87, %sub3A_103 : vector<1x128xf32>
        %add3A_105 = arith.addf %add3A_100, %mul3A_104 : vector<1x128xf32>
        %sub3A_106 = arith.constant 1.000000e+00 : f32
        %sub3A_107 = vector.broadcast %sub3A_106 : f32 to vector<1x128xf32>
        %sub3A_108 = arith.subf %div3A_81, %sub3A_107 : vector<1x128xf32>
        %mul3A_109 = arith.mulf %get3A_90, %sub3A_108 : vector<1x128xf32>
        %add3A_110 = arith.addf %add3A_105, %mul3A_109 : vector<1x128xf32>
        %sub3A_111 = arith.subf %add3A_110, %get3A_93 : vector<1x128xf32>
        %swap3A_112 = arith.constant 4 : index
        %swap3A_113 = arith.constant 0 : index
        %swap3A_114 = vector.load %arg5[%swap3A_112, %swap3A_113] : memref<8x128xf32, #tpu.memory_space<vmem>>, vector<1x128xf32>
        tpu.vector_store %arg5[%swap3A_112, %swap3A_113], %sub3A_111 {strides = array<i32>} : memref<8x128xf32, #tpu.memory_space<vmem>>, vector<1x128xf32>,
        %mul3A_115 = arith.mulf %get3A_84, %mul3A_64 : vector<1x128xf32>
        %mul3A_116 = arith.mulf %get3A_87, %mul3A_75 : vector<1x128xf32>
        %add3A_117 = arith.addf %mul3A_115, %mul3A_116 : vector<1x128xf32>
        %swap3A_118 = arith.constant 5 : index
        %swap3A_119 = arith.constant 0 : index
        %swap3A_120 = vector.load %arg5[%swap3A_118, %swap3A_119] : memref<8x128xf32, #tpu.memory_space<vmem>>, vector<1x128xf32>
        tpu.vector_store %arg5[%swap3A_118, %swap3A_119], %add3A_117 {strides = array<i32>} : memref<8x128xf32, #tpu.memory_space<vmem>>, vector<1x128xf32>,
        %swap3A_121 = arith.constant 6 : index
        %swap3A_122 = arith.constant 0 : index
        %swap3A_123 = vector.load %arg5[%swap3A_121, %swap3A_122] : memref<8x128xf32, #tpu.memory_space<vmem>>, vector<1x128xf32>
        tpu.vector_store %arg5[%swap3A_121, %swap3A_122], %get3A_93 {strides = array<i32>} : memref<8x128xf32, #tpu.memory_space<vmem>>, vector<1x128xf32>,
      } else {
      }
    } else {
    }
    %eq3A_2 = arith.constant 1 : i32
    %eq3A_3 = arith.cmpi eq, %arg0, %eq3A_2 : i32
    %convert_element_type3A_4 = arith.extui %eq3A_3 : i1 to i32
    %cond3A_5 = arith.constant 0 : i32
    %cond3A_6 = arith.cmpi ne, %convert_element_type3A_4, %cond3A_5 : i32
    scf.if %cond3A_6 {
      %get3A = arith.constant 4 : index
      %get3A_7 = arith.constant 0 : index
      %get3A_8 = vector.load %arg5[%get3A, %get3A_7] : memref<8x128xf32, #tpu.memory_space<vmem>>, vector<1x128xf32>
      %get3A_9 = arith.constant 5 : index
      %get3A_10 = arith.constant 0 : index
      %get3A_11 = vector.load %arg5[%get3A_9, %get3A_10] : memref<8x128xf32, #tpu.memory_space<vmem>>, vector<1x128xf32>
      %get3A_12 = arith.constant 6 : index
      %get3A_13 = arith.constant 0 : index
      %get3A_14 = vector.load %arg5[%get3A_12, %get3A_13] : memref<8x128xf32, #tpu.memory_space<vmem>>, vector<1x128xf32>
      %gt3A = arith.constant 5.000000e-01 : f32
      %gt3A_15 = vector.broadcast %gt3A : f32 to vector<1x128xf32>
      %gt3A_16 = arith.cmpf ogt, %get3A_14, %gt3A_15 : vector<1x128xf32>
      %mul3A = arith.constant 8192 : i32
      %mul3A_17 = arith.muli %arg1, %mul3A : i32
      %get3A_18 = arith.index_cast %mul3A_17 : i32 to index
      %get3A_19 = arith.constant 0 : index
      %get3A_20 = vector.load %arg6[%get3A_18, %get3A_19] : memref<16384x128xf32, #tpu.memory_space<vmem>>, vector<8192x128xf32>
      %mul3A_21 = vector.broadcast %get3A_8 : vector<1x128xf32> to vector<8192x128xf32>
      %mul3A_22 = arith.mulf %get3A_20, %mul3A_21 : vector<8192x128xf32>
      %add3A = vector.broadcast %get3A_11 : vector<1x128xf32> to vector<8192x128xf32>
      %add3A_23 = arith.addf %mul3A_22, %add3A : vector<8192x128xf32>
      %bitcast_convert_type3A = tpu.bitcast %get3A_20 : vector<8192x128xf32> -> vector<8192x128xi32>
      %and3A = arith.constant -2147483648 : i32
      %and3A_24 = vector.broadcast %and3A : i32 to vector<8192x128xi32>
      %and3A_25 = arith.andi %bitcast_convert_type3A, %and3A_24 : vector<8192x128xi32>
      %and3A_26 = arith.constant 2147483647 : i32
      %and3A_27 = vector.broadcast %and3A_26 : i32 to vector<8192x128xi32>
      %and3A_28 = arith.andi %bitcast_convert_type3A, %and3A_27 : vector<8192x128xi32>
      %bitcast_convert_type3A_29 = tpu.bitcast %and3A_28 : vector<8192x128xi32> -> vector<8192x128xf32>
      %add3A_30 = arith.constant 1.000000e+00 : f32
      %add3A_31 = vector.broadcast %add3A_30 : f32 to vector<8192x128xf32>
      %add3A_32 = arith.addf %add3A_31, %bitcast_convert_type3A_29 : vector<8192x128xf32>
      %log3A = math.log %add3A_32 : vector<8192x128xf32>
      %bitcast_convert_type3A_33 = tpu.bitcast %log3A : vector<8192x128xf32> -> vector<8192x128xi32>
      %or3A = arith.ori %bitcast_convert_type3A_33, %and3A_25 : vector<8192x128xi32>
      %bitcast_convert_type3A_34 = tpu.bitcast %or3A : vector<8192x128xi32> -> vector<8192x128xf32>
      %broadcast_in_dim3A = vector.shape_cast %gt3A_16 : vector<1x128xi1> to vector<1x128xi1>
      %broadcast_in_dim3A_35 = vector.broadcast %broadcast_in_dim3A : vector<1x128xi1> to vector<8192x128xi1>
      %select_n3A = arith.select %broadcast_in_dim3A_35, %bitcast_convert_type3A_34, %add3A_23 : vector<8192x128xi1>, vector<8192x128xf32>
      %swap3A = arith.constant 0 : index
      %swap3A_36 = arith.constant 0 : index
      %swap3A_37 = vector.load %arg4[%swap3A, %swap3A_36] : memref<8192x128xf32, #tpu.memory_space<vmem>>, vector<8192x128xf32>
      tpu.vector_store %arg4[%swap3A, %swap3A_36], %select_n3A {strides = array<i32>} : memref<8192x128xf32, #tpu.memory_space<vmem>>, vector<8192x128xf32>,
    } else {
    }
    return
  }
  func.func @transform_0(%arg0: i32, %arg1: i32) -> (i32, i32) {
    %sub3A = arith.constant 1 : i32
    %sub3A_0 = arith.subi %sub3A, %arg0 : i32
    %mul3A = arith.muli %arg1, %sub3A_0 : i32
    %mul3A_1 = arith.constant 1 : i32
    %mul3A_2 = arith.muli %mul3A_1, %arg0 : i32
    %add3A = arith.addi %mul3A, %mul3A_2 : i32
    %c0_i32 = arith.constant 0 : i32
    %c0_i32_3 = arith.constant 0 : i32
    return %add3A, %c0_i32 : i32, i32
  }
  func.func @transform_1(%arg0: i32, %arg1: i32) -> (i32, i32) {
    %c0_i32 = arith.constant 0 : i32
    %c0_i32_0 = arith.constant 0 : i32
    %c0_i32_1 = arith.constant 0 : i32
    return %c0_i32, %c0_i32_0 : i32, i32
  }
  func.func @transform_2(%arg0: i32, %arg1: i32) -> (i32, i32) {
    %mul3A = arith.muli %arg0, %arg1 : i32
    %c0_i32 = arith.constant 0 : i32
    %c0_i32_0 = arith.constant 0 : i32
    return %mul3A, %c0_i32 : i32, i32
  }
}

</mosaic_0001>

<sc_bundles>
// kernel: kernel.4.cloned.1.call-start
scs
__scs_entry_jumppad:
0x0: {  	(pc) =	sbr.rel $0x88, $3  }
0x1: {  	(tag) =	ssettag $0x0;
	lr =	simm.s32 $0x1  }
0x2: {  	[smem:$0x3F9E] =	sst lr;
	_ =	strace $0xD0000000  }
0x3: {  	_ = 	snop  }
0x4: {  	_ = 	snop  }
0x5: {  	_ = 	snop  }
0x6: {  	_ = 	snop  }
0x7: {  	_ = 	snop  }
__scs_overlays_trampoline_lowered:
0x8: {  	[smem:$0x3FAD] =	sst s0  }
0x9: {  	[smem:$0x3FAE] =	sst s1  }
0xa: {  	[smem:$0x3FAF] =	sst s2  }
0xb: {  	[smem:$0x3FB0] =	sst s3  }
0xc: {  	[smem:$0x3FB1] =	sst s4  }
0xd: {  	[smem:$0x3FB2] =	sst s5  }
0xe: {  	[smem:$0x3FB3] =	sst s6  }
0xf: {  	[smem:$0x3FB4] =	sst s7  }
0x10: {  	[smem:$0x3FB5] =	sst s8  }
0x11: {  	[smem:$0x3FB6] =	sst s9;
	s0 =	simm.s32 @!p0 $0x0  }
0x12: {  	s1 =	sld [smem:$0x3F9C];
	s0 =	simm.s32 @p0 $0x1  }
0x13: {  	[smem:$0x3FB7] =	sst s0;
	s0 =	simm.s32 @!p1 $0x0  }
0x14: {  	s2 =	sld [smem:$0x3F9B];
	s0 =	simm.s32 @p1 $0x1  }
0x15: {  	[smem:$0x3FB8] =	sst s0;
	s0 =	simm.s32 @!p2 $0x0  }
0x16: {  	s3 =	sld [smem:$0x3FDB];
	s0 =	simm.s32 @p2 $0x1  }
0x17: {  	s4 =	simm.s32 $0x1BF5;
	[smem:$0x3FBA] =	sst s0  }
0x18: {  	s0 =	sld [smem:$0x3F9D];
	_ =	swait.ge [sflag:s4], $0x0  }
0x19: {  	s7 =	sld [smem:$0x3F9E]  }
0x1a: {  	s8 =	sadd.s32 $0xFFFFE003, lr  }
0x1b: {  	s9 =	sadd.s32 $0xFFFFFEF7, lr;
	s5 =	simm.s32 $0xFFFFFFFF;
	p2 =	slt.u32 s8, $0xFFFFF086  }
0x1c: {  	p1 =	slt.u32 s9, $0xF7A;
	s5 =	simm.s32 @!p2 $0x0  }
0x1d: {  	s5 =	simm.s32 @p1 $0x1;
	p0 =	seq.s32 s7, s2  }
0x1e: {  	s7 =	smul.u32 @!p0 $0xF7A, s2;
	p2 =	seq.s32 @!p0 s5, $0x0  }
0x1f: {  	s9 =	smul.u32 $0xF7A, s1;
	s8 =	simm.s32 @!p0 $0x1BF5;
	p2 =	por !p2, p0  }
0x20: {  	[sflag:s8] =	ssyncset.s32 @!p0 $0xFFFFF086;
	s6 =	sadd.s32 @!p0 s3, s7;
	s7 =	simm.s32 @!p0 $0x108  }
0x21: {  	s3 =	sadd.s32 s3, s9;
	s6 =	sadd.s32 @!p0 $0x88, s6;
	s7 =	simm.s32 @p2 $0x1082  }
0x22: {  	[simem:s7], [sflag:s8] =	dma.local @!p0 [hbm:s6], $0xF7A  }
0x23: {  	s9 =	sor.u32 $0xD0000000, s2;
	s6 =	simm.s32 $0x108;
	_ =	swait.ge @!p0 [sflag:s8], $0x0  }
0x24: {  	s3 =	sadd.s32 $0x88, s3;
	s6 =	simm.s32 @!p1 $0x1082;
	[sflag:s4] =	ssyncset.s32 $0xFFFFF086  }
0x25: {  	[simem:s6], [sflag:s4] =	dma.local [hbm:s3], $0xF7A  }
0x26: {  	[smem:$0x3F9E] =	sst s1;
	(tag) =	ssettag s2;
	_ =	strace s9  }
0x27: {  	s1 =	sld [smem:$0x3FAE]  }
0x28: {  	s2 =	sld [smem:$0x3FAF]  }
0x29: {  	s4 =	sld [smem:$0x3FB1]  }
0x2a: {  	p0 =	seq.s32 s5, $0x0;
	s5 =	sld [smem:$0x3FB2]  }
0x2b: {  	s6 =	sld [smem:$0x3FB3]  }
0x2c: {  	s7 =	sld [smem:$0x3FB4]  }
0x2d: {  	s3 =	simm.s32 $0x108;
	s8 =	sld [smem:$0x3FB5]  }
0x2e: {  	s3 =	simm.s32 @!p0 $0x1082;
	s9 =	sld [smem:$0x3FB6]  }
0x2f: {  	lr =	sadd.s32 s0, s3;
	s0 =	sld [smem:$0x3FAD]  }
0x30: {  	s3 =	sld [smem:$0x3FB0]  }
0x31: {  	[smem:$0x3FB9] =	sst s10  }
0x32: {  	s10 =	sld [smem:$0x3FB7];
	_ =	sdelay $0x3  }
0x33: {  	p0 =	seq.s32 s10, $0x1;
	s10 =	sld [smem:$0x3FB9];
	_ =	sdelay $0x3  }
0x34: {  	[smem:$0x3FB9] =	sst s10  }
0x35: {  	s10 =	sld [smem:$0x3FB8];
	_ =	sdelay $0x3  }
0x36: {  	p1 =	seq.s32 s10, $0x1;
	s10 =	sld [smem:$0x3FB9];
	_ =	sdelay $0x3  }
0x37: {  	[smem:$0x3FB9] =	sst s10  }
0x38: {  	s10 =	sld [smem:$0x3FBA]  }
0x39: {  	_ = 	snop;
	(pc) =	sbr.ind lr, $3  }
0x3a: {  	_ = 	snop  }
0x3b: {  	_ = 	snop  }
0x3c: {  	p2 =	seq.s32 s10, $0x1;
	s10 =	sld [smem:$0x3FB9]  }
0x3d: {  	_ =	shalt  }
0x3e: {  	_ =	shalt  }
0x3f: {  	_ =	shalt  }
0x40: {  	_ =	shalt  }
0x41: {  	_ =	shalt  }
0x42: {  	_ =	shalt  }
0x43: {  	_ =	shalt  }
0x44: {  	_ =	shalt  }
0x45: {  	_ =	shalt  }
0x46: {  	_ =	shalt  }
0x47: {  	_ =	shalt  }
0x48: {  	_ =	shalt  }
0x49: {  	_ =	shalt  }
0x4a: {  	_ =	shalt  }
0x4b: {  	_ =	shalt  }
0x4c: {  	_ =	shalt  }
0x4d: {  	_ =	shalt  }
0x4e: {  	_ =	shalt  }
0x4f: {  	_ =	shalt  }
0x50: {  	_ =	shalt  }
0x51: {  	_ =	shalt  }
0x52: {  	_ =	shalt  }
0x53: {  	_ =	shalt  }
0x54: {  	_ =	shalt  }
0x55: {  	_ =	shalt  }
0x56: {  	_ =	shalt  }
0x57: {  	_ =	shalt  }
0x58: {  	_ =	shalt  }
0x59: {  	_ =	shalt  }
0x5a: {  	_ =	shalt  }
0x5b: {  	_ =	shalt  }
0x5c: {  	_ =	shalt  }
0x5d: {  	_ =	shalt  }
0x5e: {  	_ =	shalt  }
0x5f: {  	_ =	shalt  }
0x60: {  	_ =	shalt  }
0x61: {  	_ =	shalt  }
0x62: {  	_ =	shalt  }
0x63: {  	_ =	shalt  }
0x64: {  	_ =	shalt  }
0x65: {  	_ =	shalt  }
0x66: {  	_ =	shalt  }
0x67: {  	_ =	shalt  }
0x68: {  	_ =	shalt  }
0x69: {  	_ =	shalt  }
0x6a: {  	_ =	shalt  }
0x6b: {  	_ =	shalt  }
0x6c: {  	_ =	shalt  }
0x6d: {  	_ =	shalt  }
0x6e: {  	_ =	shalt  }
0x6f: {  	_ =	shalt  }
0x70: {  	_ =	shalt  }
0x71: {  	_ =	shalt  }
0x72: {  	_ =	shalt  }
0x73: {  	_ =	shalt  }
0x74: {  	_ =	shalt  }
0x75: {  	_ =	shalt  }
0x76: {  	_ =	shalt  }
0x77: {  	_ =	shalt  }
0x78: {  	_ =	shalt  }
0x79: {  	_ =	shalt  }
0x7a: {  	_ =	shalt  }
0x7b: {  	_ =	shalt  }
0x7c: {  	_ =	shalt  }
0x7d: {  	_ =	shalt  }
0x7e: {  	_ =	shalt  }
0x7f: {  	_ =	shalt  }
0x80: {  	_ =	shalt  }
0x81: {  	_ =	shalt  }
0x82: {  	_ =	shalt  }
0x83: {  	_ =	shalt  }
0x84: {  	_ =	shalt  }
0x85: {  	_ =	shalt  }
0x86: {  	_ =	shalt  }
0x87: {  	_ =	shalt  }
.Lfunc_end0:
.L_simem_size_0:
called_computation_lowered:
.L_overlay_start_0:
0x88: {  	s2 =	sld [smem:$0x3FD9]  }
0x89: {  	s3 =	sld [smem:$0x3FFE];
	_ =	sdelay $0x1  }
0x8a: {  	s1 =	srdreg.scid  }
0x8b: {  	s0 =	sand.u32 $0x1, s1  }
0x8c: {  	s18 =	sshll.u32 s0, $0xA;
	s2 =	sadd.s32 s3, s2  }
0x8d: {  	s2 =	sadd.s32 s2, s18  }
0x8e: {  	[smem:$0x3FC5] =	sst s2  }
0x8f: {  	_ = 	snop  }
0x90: {  	s2 =	sld [smem:$0x3FC8]  }
0x91: {  	s19 =	sld [smem:$0x3FC7]  }
0x92: {  	s4 =	sld [smem:$0x3FD0];
	(tm) =	ssettm $0x1  }
0x93: {  	s5 =	sld [smem:$0x3FFB];
	_ =	sdelay $0x3  }
0x94: {  	_ =	strace s5  }
0x95: {  	s5 =	sld [smem:$0x3FFC];
	_ =	sdelay $0x3  }
0x96: {  	_ =	strace s5  }
0x97: {  	s5 =	sld [smem:$0x3FFD];
	_ =	sdelay $0x3  }
0x98: {  	_ =	strace s5  }
0x99: {  	_ =	strace $0x8FFFFFFF  }
0x9a: {  	s20 =	sld [smem:$0x3FDB];
	_ =	sdelay $0x1  }
0x9b: {  	s6 =	simm.s32 $_scs_section_size  }
0x9c: {  	s7 =	simm.s32 $_size__tile_overlayer_lowered;
	s8 =	simm.s32 $_tile_overlayer_lowered  }
0x9d: {  	s23 =	simm.s32 $0x1BFF;
	s22 =	sshll.u32 s8, $0x1;
	s5 =	sadd.s32 s6, s20  }
0x9e: {  	s9 =	simm.s32 $0x0;
	s21 =	sshll.u32 s7, $0x1;
	s7 =	sadd.s32 s22, s5  }
0x9f: {  	[timem:s9], [sflag:s23] =	dma.local [hbm:s7], s21  }
0xa0: {  	_ =	swait.ge [sflag:s23], s21  }
0xa1: {  	s6 =	ssub.s32 $0x0, s21;
	[sflag:s23] =	ssyncset.done $0x0  }
0xa2: {  	[sflag:s23] =	ssyncadd.s32 s6;
	_ =	sdelay $0x1  }
0xa3: {  	s24 =	simm.s32 $0x1B8B  }
0xa4: {  	_ =	swait.ge [sflag:s24], $0x1  }
0xa5: {  	[sflag:s24] =	ssyncset.done $0x0  }
0xa6: {  	s25 =	simm.s32 $0x1B8E;
	[sflag:s24] =	ssyncadd.s32 $0xFFFFFFFF  }
0xa7: {  	s26 =	simm.s32 $execute0_lowered;
	[smem:$0x3FD2] =	sst s25  }
0xa8: {  	s6 =	sshll.u32 s26, $0x1;
	_ =	strace $0x80000046;
	[dreg:$0x1] =	wrdreg $0xFFFFFFFF  }
0xa9: {  	s28 =	simm.s32 $_size_execute0_lowered;
	s5 =	sadd.s32 s5, s6;
	[dreg:$0x0] =	wrdreg $0x0  }
0xaa: {  	s6 =	sshll.u32 s28, $0x1;
	[dreg:$0x2] =	wrdreg s5  }
0xab: {  	[dreg:$0x3] =	wrdreg s6  }
0xac: {  	[dreg:$0x4] =	wrdreg $0xC0  }
0xad: {  	_ =	task [dreg:s9], $0x5FFFF  }
0xae: {  	[dreg:$0x1] =	wrdreg $0xFFFFFFFF  }
0xaf: {  	[dreg:$0x0] =	wrdreg $0x60  }
0xb0: {  	[dreg:$0x2] =	wrdreg s19  }
0xb1: {  	[dreg:$0x3] =	wrdreg s2  }
0xb2: {  	[dreg:$0x4] =	wrdreg s4  }
0xb3: {  	[dreg:$0x5] =	wrdreg $0x9  }
0xb4: {  	_ =	task.clear_ibuf [dreg:s9], $0x6FFFF;
	_ =	strace $0x90000046  }
0xb5: {  	s29 =	simm.s32 $0x9;
	_ =	strace $0x80000048  }
0xb6: {  	_ =	swait.ge [sflag:s29], $0x1  }
0xb7: {  	[sflag:s29] =	ssyncadd.s32 $0xFFFFFFFF  }
0xb8: {  	_ =	strace $0x90000048  }
0xb9: {  	_ =	sfence  }
0xba: {  	s30 =	sld [smem:$0x0];
	_ =	sdelay $0x2  }
0xbb: {  	s31 =	sshll.u32 s1, $0xD;
	s1 =	sshrl.u32 s1, $0x2  }
0xbc: {  	s3 =	sand.u32 $0x4000, s31;
	s1 =	sadd.s32 s1, s30  }
0xbd: {  	s0 =	sor.u32 s3, s0;
	s1 =	sshll.u32 s1, $0x11  }
0xbe: {  	s0 =	sor.u32 s1, s0  }
0xbf: {  	s0 =	sadd.s32 $0x8F2B, s0  }
0xc0: {  	[sflag:s0] =	ssyncadd.remote.s32 $0x1  }
0xc1: {  	_ =	sfence.sel $0xFFFF  }
0xc2: {  	[dreg:$0x0] =	wrdreg $0xFFFFFFFF;
	(pc) =	sbr.abs _section_cstart, $3  }
0xc3: {  	[dreg:$0x1] =	wrdreg $0xFFFFFFFF  }
0xc4: {  	_ =	task.clear_ibuf [dreg:s9], $0x2FFFF;
	_ =	strace $0x9FFFFFFF  }
0xc5: {  	(tm) =	ssettm $0x7FFFFFFF  }
tec
execute0_lowered:
.L_overlay_start_1:
0x0: {  	(tag) =	ssettag $0x1  }
0x1: {  	s0 =	srdreg.scid  }
0x2: {  	s2 =	stileid.u32;
	s6 =	sand.u32 $0x1, s0  }
0x3: {  	s7 =	sor.u32 s2, s6  }
0x4: {  	p0 =	sne.s32 s7, $0x0  }
.Ltmp0:
0x5: {  	s1 =	rddreg [dreg:$0x0];
	(pc) =	sbr.rel @p0 .LBB2_3-.Ltmp0, $4  }
0x6: {  	s3 =	rddreg [dreg:$0x1]  }
0x7: {  	s4 =	rddreg [dreg:$0x2];
	s5 =	simm.s32 $0x0  }
0x8: {  	[smem:$0x7FF] =	sst s5  }
0x9: {  	s0 =	rddreg [dreg:$0x3];
	_ =	strace $0x80000047  }
0xa: {  	s6 =	ssub.s32 $0x2, s6;
	s8 =	sadd.s32 $0x20, s1;
	s9 =	sadd.s32 $0x30, s1  }
0xb: {  	s10 =	sadd.s32 $0x10, s4;
	s11 =	sadd.s32 $0x20, s4;
	s12 =	sadd.s32 $0x30, s4  }
0xc: {  	s13 =	simm.s32 $0x1;
	s14 =	simm.s32 $0x80;
	s15 =	simm.s32 $0x100  }
0xd: {  	s16 =	simm.s32 $0x180;
	s17 =	simm.s32 $0x200;
	s18 =	simm.s32 $0x280  }
0xe: {  	s19 =	simm.s32 $0x300;
	s20 =	simm.s32 $0x380;
	s7 =	sshrl.u32 s6, $0x1  }
0xf: {  	v0 =	vimm.f32 $0.0e+00;
	s21 =	simm.s32 $0x400;
	s6 =	ssub.s32 s6, s7;
	s7 =	sadd.s32 $0x10, s1  }
.LBB2_2:
0x10: {  	[tilespmem:s5], [sflag:$0x1] =	stream.linear.gather [hbm4b:s1+s5], $0x80, $0x38;
	[tilespmem:$0x480] =	vst v63  }
0x11: {  	_ =	swait.ge [sflag:s13], $0x80  }
0x12: {  	[sflag:s13] =	ssyncset.done $0x0  }
0x13: {  	[sflag:s13] =	ssyncadd.s32 $0xFFFFFF80  }
0x14: {  	[tilespmem:s14], [sflag:$0x1] =	stream.linear.gather [hbm4b:s7+s5], $0x80, $0x38;
	[tilespmem:$0x480] =	vst v63  }
0x15: {  	_ =	swait.ge [sflag:s13], $0x80  }
0x16: {  	[sflag:s13] =	ssyncset.done $0x0  }
0x17: {  	[sflag:s13] =	ssyncadd.s32 $0xFFFFFF80  }
0x18: {  	[tilespmem:s15], [sflag:$0x1] =	stream.linear.gather [hbm4b:s8+s5], $0x80, $0x38;
	[tilespmem:$0x480] =	vst v63  }
0x19: {  	_ =	swait.ge [sflag:s13], $0x80  }
0x1a: {  	[sflag:s13] =	ssyncset.done $0x0  }
0x1b: {  	[sflag:s13] =	ssyncadd.s32 $0xFFFFFF80  }
0x1c: {  	[tilespmem:s16], [sflag:$0x1] =	stream.linear.gather [hbm4b:s9+s5], $0x80, $0x38;
	[tilespmem:$0x480] =	vst v63  }
0x1d: {  	_ =	swait.ge [sflag:s13], $0x80  }
0x1e: {  	[sflag:s13] =	ssyncset.done $0x0  }
0x1f: {  	[sflag:s13] =	ssyncadd.s32 $0xFFFFFF80  }
0x20: {  	[tilespmem:s17], [sflag:$0x1] =	stream.linear.gather [hbm4b:s3+s5], $0x80, $0x38;
	[tilespmem:$0x480] =	vst v63  }
0x21: {  	_ =	swait.ge [sflag:s13], $0x80  }
0x22: {  	[sflag:s13] =	ssyncset.done $0x0  }
0x23: {  	[sflag:s13] =	ssyncadd.s32 $0xFFFFFF80  }
0x24: {  	v1 =	vld [tilespmem:$0x0]  }
0x25: {  	v2 =	vld [tilespmem:$0x80]  }
0x26: {  	v3 =	vld [tilespmem:$0x100]  }
0x27: {  	v4 =	vld [tilespmem:$0x180]  }
0x28: {  	v5 =	vld [tilespmem:$0x200]  }
0x29: {  	v6 =	vld [tilespmem:$0x10]  }
0x2a: {  	v7 =	vld [tilespmem:$0x90]  }
0x2b: {  	v8 =	vld [tilespmem:$0x110]  }
0x2c: {  	v10 =	vld [tilespmem:$0x190]  }
0x2d: {  	v11 =	vld [tilespmem:$0x210]  }
0x2e: {  	v57 =	vld [tilespmem:$0x20]  }
0x2f: {  	v58 =	vld [tilespmem:$0xA0]  }
0x30: {  	v15 =	vld [tilespmem:$0x120]  }
0x31: {  	v16 =	vld [tilespmem:$0x1A0]  }
0x32: {  	v18 =	vld [tilespmem:$0x220]  }
0x33: {  	v20 =	vld [tilespmem:$0x30]  }
0x34: {  	v62 =	vld [tilespmem:$0xB0]  }
0x35: {  	v28 =	vld [tilespmem:$0x130]  }
0x36: {  	v21 =	vld [tilespmem:$0x1B0]  }
0x37: {  	v35 =	vld [tilespmem:$0x40]  }
0x38: {  	v37 =	vld [tilespmem:$0xC0]  }
0x39: {  	v9 =	vmax.f32 v1, v2;
	v4 =	vmax.f32 v3, v4  }
0x3a: {  	vm10 =	vgt.f32 v5, $0.0e+00;
	v56 =	vmax.f32 v6, v7;
	v10 =	vmax.f32 v8, v10  }
0x3b: {  	vm15 =	vgt.f32 v11, $0.0e+00;
	v29 =	vmax.f32 v57, v58;
	v16 =	vmax.f32 v15, v16  }
0x3c: {  	vm4 =	vgt.f32 v18, $0.0e+00;
	v33 =	vmax.f32 v20, v62;
	v34 =	vmax.f32 v28, v21  }
0x3d: {  	v46 =	vmax.f32 v35, v37;
	v4 =	vmax.f32 v9, v4;
	v9 =	vmax.f32 v56, v10  }
0x3e: {  	v13 =	vsel vm10, $0x3F800000, v0;
	v11 =	vsel vm15, $0x3F800000, v0;
	v16 =	vmax.f32 v29, v16  }
0x3f: {  	v30 =	vsel vm4, $0x3F800000, v0;
	v18 =	vmax.f32 v33, v34;
	vm0 =	vge.f32 v1, v4  }
0x40: {  	vm1 =	vge.f32 v2, v4;
	vm11 =	vge.f32 v3, v4;
	vm12 =	vge.f32 v6, v9  }
0x41: {  	vm13 =	vge.f32 v7, v9;
	vm14 =	vge.f32 v8, v9;
	vm5 =	vge.f32 v57, v16  }
0x42: {  	vm6 =	vge.f32 v58, v16;
	vm7 =	vge.f32 v15, v16;
	vm8 =	vge.f32 v20, v18  }
0x43: {  	v23 =	vld [tilespmem:$0x230];
	vm9 =	vge.f32 v62, v18;
	vm10 =	vge.f32 v28, v18;
	v1 =	vsel vm0, $0x3F800000, v0  }
0x44: {  	v2 =	vsel vm1, $0x3F800000, v0;
	v55 =	vsel vm11, $0x3F800000, v0;
	v59 =	vsel vm12, $0x3F800000, v0  }
0x45: {  	v14 =	vsel vm13, $0x3F800000, v0;
	v17 =	vsel vm14, $0x3F800000, v0;
	v10 =	vsel vm5, $0x3F800000, v0  }
0x46: {  	v6 =	vsel vm6, $0x3F800000, v0;
	v36 =	vsel vm7, $0x3F800000, v0;
	v39 =	vsel vm8, $0x3F800000, v0  }
0x47: {  	v24 =	vsel vm9, $0x3F800000, v0;
	v3 =	vsub.f32 $1.000000000e+00, v1;
	v54 =	vsub.f32 $1.000000000e+00, v2  }
0x48: {  	vm11 =	vgt.f32 v23, $0.0e+00;
	v12 =	vsub.f32 $1.000000000e+00, v55;
	v60 =	vsub.f32 $1.000000000e+00, v59  }
0x49: {  	v61 =	vsub.f32 $1.000000000e+00, v14;
	v1 =	vmul.f32 v1, v13;
	v7 =	vmul.f32 v59, v11  }
0x4a: {  	v31 =	vsub.f32 $1.000000000e+00, v10;
	v32 =	vsub.f32 $1.000000000e+00, v6;
	v10 =	vmul.f32 v10, v30  }
0x4b: {  	v25 =	vsub.f32 $1.000000000e+00, v39;
	v4 =	vmul.f32 v54, v3;
	v3 =	vmul.f32 v3, v13  }
0x4c: {  	v38 =	vld [tilespmem:$0x140];
	v26 =	vsub.f32 $1.000000000e+00, v24;
	v9 =	vmul.f32 v61, v60;
	v8 =	vmul.f32 v60, v11  }
0x4d: {  	v44 =	vld [tilespmem:$0x240];
	v23 =	vsel vm11, $0x3F800000, v0;
	v16 =	vmul.f32 v32, v31;
	v15 =	vmul.f32 v31, v30  }
0x4e: {  	v53 =	vld [tilespmem:$0x250];
	v19 =	vsub.f32 $1.000000000e+00, v17;
	v43 =	vmul.f32 v26, v25;
	v25 =	vmul.f32 v25, v23  }
0x4f: {  	v48 =	vld [tilespmem:$0x150];
	v42 =	vsel vm10, $0x3F800000, v0;
	v12 =	vmul.f32 v4, v12;
	v4 =	vmul.f32 v4, v13  }
0x50: {  	v29 =	vld [tilespmem:$0x260];
	v22 =	vsub.f32 $1.000000000e+00, v36;
	v2 =	vmul.f32 v3, v2;
	v27 =	vmul.f32 v9, v19  }
0x51: {  	v50 =	vld [tilespmem:$0x1D0];
	v45 =	vsub.f32 $1.000000000e+00, v42;
	v8 =	vmul.f32 v8, v14;
	v9 =	vmul.f32 v9, v11  }
0x52: {  	v40 =	vld [tilespmem:$0x1C0];
	vm14 =	vgt.f32 v44, $0.0e+00;
	v22 =	vmul.f32 v16, v22;
	v16 =	vmul.f32 v16, v30  }
0x53: {  	v56 =	vld [tilespmem:$0x60];
	vm7 =	vgt.f32 v53, $0.0e+00;
	v6 =	vmul.f32 v15, v6;
	v18 =	vmul.f32 v43, v45  }
0x54: {  	v52 =	vsel vm14, $0x3F800000, v0;
	v59 =	vld [tilespmem:$0xE0];
	v3 =	vmul.f32 v4, v55;
	v63 =	vmul.f32 v12, v13  }
0x55: {  	vm8 =	vgt.f32 v29, $0.0e+00;
	v9 =	vmul.f32 v9, v17;
	v11 =	vmul.f32 v27, v11  }
0x56: {  	v47 =	vld [tilespmem:$0xD0];
	v19 =	vmax.f32 v48, v50;
	v41 =	vmul.f32 v16, v36;
	v14 =	vmul.f32 v22, v30  }
0x57: {  	v50 =	vld [tilespmem:$0x270];
	v4 =	vmax.f32 v38, v40;
	v12 =	vmul.f32 v39, v23;
	v16 =	vmul.f32 v43, v23  }
0x58: {  	v27 =	vld [tilespmem:$0x50];
	[tilespmem:$0x300] =	vst v2;
	v2 =	vmul.f32 v25, v24;
	v60 =	vmul.f32 v18, v23;
	v4 =	vmax.f32 v46, v4  }
0x59: {  	[tilespmem:$0x280] =	vst v1;
	v36 =	vsel vm7, $0x3F800000, v0;
	v39 =	vmax.f32 v56, v59;
	v40 =	vld [tilespmem:$0x170];
	vm12 =	vge.f32 v35, v4  }
0x5a: {  	v43 =	vld [tilespmem:$0x1F0];
	vm13 =	vge.f32 v37, v4;
	vm15 =	vge.f32 v38, v4;
	[tilespmem:$0x380] =	vst v3;
	v3 =	vmul.f32 v16, v42  }
0x5b: {  	[tilespmem:$0x290] =	vst v7;
	v42 =	vsel vm8, $0x3F800000, v0;
	v49 =	vsel vm12, $0x3F800000, v0;
	v28 =	vsel vm13, $0x3F800000, v0  }
0x5c: {  	[tilespmem:$0x2A0] =	vst v10;
	v54 =	vsel vm15, $0x3F800000, v0;
	v1 =	vsub.f32 $1.000000000e+00, v49;
	v51 =	vsub.f32 $1.000000000e+00, v28  }
0x5d: {  	[tilespmem:$0x310] =	vst v8;
	vm14 =	vgt.f32 v50, $0.0e+00;
	v57 =	vsub.f32 $1.000000000e+00, v54;
	v58 =	vmax.f32 v27, v47  }
0x5e: {  	[tilespmem:$0x320] =	vst v6;
	v30 =	vmul.f32 v49, v52;
	v55 =	vmul.f32 v51, v1;
	v61 =	vmax.f32 v58, v19  }
0x5f: {  	v62 =	vld [tilespmem:$0x160];
	[tilespmem:$0x400] =	vst v63;
	v1 =	vmul.f32 v1, v52;
	v51 =	vmax.f32 v40, v43;
	vm4 =	vge.f32 v27, v61  }
0x60: {  	[tilespmem:$0x390] =	vst v9;
	v27 =	vld [tilespmem:$0x1E0];
	vm5 =	vge.f32 v47, v61;
	vm6 =	vge.f32 v48, v61;
	v5 =	vmul.f32 v55, v57  }
0x61: {  	[tilespmem:$0x410] =	vst v11;
	v1 =	vmul.f32 v1, v28;
	v28 =	vsel vm4, $0x3F800000, v0;
	v31 =	vsel vm5, $0x3F800000, v0  }
0x62: {  	[tilespmem:$0x3A0] =	vst v41;
	v63 =	vmul.f32 v55, v52;
	v32 =	vsub.f32 $1.000000000e+00, v28;
	v33 =	vsub.f32 $1.000000000e+00, v31  }
0x63: {  	v35 =	vld [tilespmem:$0x70];
	[tilespmem:$0x420] =	vst v14;
	v34 =	vsel vm6, $0x3F800000, v0;
	v57 =	vsel vm14, $0x3F800000, v0;
	v46 =	vmul.f32 v28, v36  }
0x64: {  	v38 =	vld [tilespmem:$0xF0];
	[tilespmem:$0x2B0] =	vst v12;
	v37 =	vsub.f32 $1.000000000e+00, v34;
	v8 =	vmul.f32 v63, v54;
	v18 =	vmul.f32 v33, v32  }
0x65: {  	[tilespmem:$0x330] =	vst v2;
	v5 =	vmul.f32 v5, v52;
	v10 =	vmul.f32 v32, v36;
	v16 =	vmax.f32 v62, v27  }
0x66: {  	[tilespmem:$0x430] =	vst v60;
	v41 =	vmax.f32 v39, v16;
	v2 =	vmul.f32 v18, v37;
	v44 =	vmul.f32 v18, v36  }
0x67: {  	[tilespmem:$0x3B0] =	vst v3;
	v3 =	vmul.f32 v10, v31;
	vm9 =	vge.f32 v56, v41;
	vm10 =	vge.f32 v59, v41  }
0x68: {  	[tilespmem:$0x2C0] =	vst v30;
	vm11 =	vge.f32 v62, v41;
	v45 =	vsel vm9, $0x3F800000, v0;
	v6 =	vmul.f32 v44, v34  }
0x69: {  	[tilespmem:$0x340] =	vst v1;
	v47 =	vsel vm10, $0x3F800000, v0;
	v1 =	vmul.f32 v2, v36;
	v2 =	vmax.f32 v35, v38  }
0x6a: {  	[tilespmem:$0x2D0] =	vst v46;
	v52 =	vsel vm11, $0x3F800000, v0;
	v48 =	vsub.f32 $1.000000000e+00, v45;
	v49 =	vsub.f32 $1.000000000e+00, v47  }
0x6b: {  	[tilespmem:$0x3C0] =	vst v8;
	v2 =	vmax.f32 v2, v51;
	v53 =	vsub.f32 $1.000000000e+00, v52;
	v10 =	vmul.f32 v45, v42  }
0x6c: {  	[tilespmem:$0x440] =	vst v5;
	vm12 =	vge.f32 v35, v2;
	vm13 =	vge.f32 v38, v2;
	v12 =	vmul.f32 v49, v48  }
0x6d: {  	[tilespmem:$0x350] =	vst v3;
	v54 =	vmul.f32 v48, v42;
	v55 =	vsel vm12, $0x3F800000, v0;
	v56 =	vsel vm13, $0x3F800000, v0  }
0x6e: {  	[tilespmem:$0x3D0] =	vst v6;
	v58 =	vsub.f32 $1.000000000e+00, v55;
	v59 =	vsub.f32 $1.000000000e+00, v56;
	v3 =	vmul.f32 v12, v42  }
0x6f: {  	vm15 =	vge.f32 v40, v2;
	[tilespmem:$0x450] =	vst v1;
	v1 =	vmul.f32 v12, v53;
	v2 =	vmul.f32 v54, v47  }
0x70: {  	[tilespmem:$0x2E0] =	vst v10;
	v60 =	vsel vm15, $0x3F800000, v0;
	v61 =	vmul.f32 v59, v58;
	v3 =	vmul.f32 v3, v52  }
0x71: {  	v62 =	vmul.f32 v58, v57;
	[tilespmem:$0x360] =	vst v2;
	v1 =	vmul.f32 v1, v42;
	v2 =	vsub.f32 $1.000000000e+00, v60  }
0x72: {  	v63 =	vmul.f32 v61, v57;
	[tilespmem:$0x3E0] =	vst v3;
	v3 =	vmul.f32 v55, v57  }
0x73: {  	[tilespmem:$0x460] =	vst v1;
	v1 =	vmul.f32 v61, v2;
	v2 =	vmul.f32 v62, v56  }
0x74: {  	[tilespmem:$0x2F0] =	vst v3;
	v3 =	vmul.f32 v63, v60  }
0x75: {  	[tilespmem:$0x370] =	vst v2;
	v1 =	vmul.f32 v1, v57  }
0x76: {  	[tilespmem:$0x3F0] =	vst v3  }
0x77: {  	[tilespmem:$0x470] =	vst v1  }
0x78: {  	[hbm4b:s4+s5] =	stream.linear.scatter [tilespmem:s18], [sflag:$0x1], $0x80, $0x38;
	[tilespmem:$0x480] =	vst v63  }
0x79: {  	_ =	swait.ge [sflag:s13], $0x80  }
0x7a: {  	[sflag:s13] =	ssyncset.done $0x0  }
0x7b: {  	[sflag:s13] =	ssyncadd.s32 $0xFFFFFF80  }
0x7c: {  	[hbm4b:s10+s5] =	stream.linear.scatter [tilespmem:s19], [sflag:$0x1], $0x80, $0x38;
	[tilespmem:$0x480] =	vst v63  }
0x7d: {  	_ =	swait.ge [sflag:s13], $0x80  }
0x7e: {  	[sflag:s13] =	ssyncset.done $0x0  }
0x7f: {  	[sflag:s13] =	ssyncadd.s32 $0xFFFFFF80  }
0x80: {  	[hbm4b:s11+s5] =	stream.linear.scatter [tilespmem:s20], [sflag:$0x1], $0x80, $0x38;
	[tilespmem:$0x480] =	vst v63  }
0x81: {  	_ =	swait.ge [sflag:s13], $0x80  }
0x82: {  	p0 =	sne.s32 s6, $0x1;
	[sflag:s13] =	ssyncset.done $0x0  }
.Ltmp1:
0x83: {  	[sflag:s13] =	ssyncadd.s32 $0xFFFFFF80;
	(pc) =	sbr.rel @p0 .LBB2_2-.Ltmp1, $4  }
0x84: {  	[hbm4b:s12+s5] =	stream.linear.scatter [tilespmem:s21], [sflag:$0x1], $0x80, $0x38;
	[tilespmem:$0x480] =	vst v63  }
0x85: {  	_ =	swait.ge [sflag:s13], $0x80  }
0x86: {  	[sflag:s13] =	ssyncset.done $0x0  }
0x87: {  	s6 =	sadd.s32 $0xFFFFFFFF, s6;
	[sflag:s13] =	ssyncadd.s32 $0xFFFFFF80  }
.LBB2_3:
0x88: {  	_ =	sfence.sel $0x180000  }
0x89: {  	[bflag:$0x0] =	sbarrier.arrive $0xFFFF  }
0x8a: {  	p0 =	sne.s32 s2, $0x0;
	_ =	strace $0x90000047  }
0x8b: {  	s0 =	sadd.s32 @!p0 $0x100000, s0;
	[bflag:$0x2] =	sbarrier.arrive $0xFFFF  }
0x8c: {  	[sflag:s0] =	ssyncadd.tile.s32 @!p0 $0x1;
	_ =	shalt  }
.Lfunc_end2:
_tile_overlayer_lowered:
.L_overlay_start_2:
0x8d: {  	(tag) =	ssettag $0x2  }
0x8e: {  	s0 =	rddreg [dreg:$0x0];
	s2 =	stileid.u32  }
0x8f: {  	s1 =	rddreg [dreg:$0x1];
	p0 =	sne.s32 s2, $0x0  }
0x90: {  	s3 =	rddreg [dreg:$0x2];
	[bflag:$0x3] =	sbarrier.arrive $0xFFFF;
	s2 =	simm.s32 @!p0 $0x1C01  }
0x91: {  	[timem:s3], [sflag:s2] =	dma.local @!p0 [hbm:s0], s1  }
0x92: {  	s0 =	simm.s32 @!p0 $0x1  }
0x93: {  	_ =	swait.ge @!p0 [sflag:s0], s1  }
0x94: {  	s1 =	ssub.s32 @!p0 $0x0, s1;
	[sflag:s0] =	ssyncset.done @!p0 $0x0  }
0x95: {  	[sflag:s0] =	ssyncadd.s32 @!p0 s1  }
0x96: {  	[bflag:$0x3] =	sbarrier.arrive $0xFFFF  }
0x97: {  	_ =	shalt  }

</sc_bundles>
